<compile_context>
chip_gen: v7x
topology: tpu7x:2x2x1
jax: 0.10.2.dev20260603
libtpu: 0.0.44.dev20260713+nightly
codegen_flags: <defaults>
</compile_context>

<pallas_src>
import functools

import jax
import jax.numpy as jnp
from jax import lax
from jax.experimental import pallas as pl
from jax.experimental.pallas import tpu as pltpu
from jax.experimental.pallas import tpu_sc as plsc

_HIDDEN = 4096
_NUM_EXPERTS = 64
_TOP_K = 8
_BLOCK_T = 1024
_NSLICE = 4
_NWORKER = 32


def _matmul_kernel(x_ref, w_ref, logits_ref):
    logits_ref[...] = jax.lax.dot_general(
        x_ref[...], w_ref[...], (((1,), (1,)), ((), ())),
        preferred_element_type=jnp.float32,
    )


def _tc_logits(x, gate_w):
    s = x.shape[0]
    return pl.pallas_call(
        _matmul_kernel,
        grid=(s // _BLOCK_T,),
        in_specs=[
            pl.BlockSpec((_BLOCK_T, _HIDDEN), lambda i: (i, 0)),
            pl.BlockSpec((_NUM_EXPERTS, _HIDDEN), lambda i: (0, 0)),
        ],
        out_specs=pl.BlockSpec((_BLOCK_T, _NUM_EXPERTS), lambda i: (i, 0)),
        out_shape=jax.ShapeDtypeStruct((s, _NUM_EXPERTS), jnp.float32),
        compiler_params=pltpu.CompilerParams(
            dimension_semantics=("parallel",),
        ),
    )(x, gate_w)


def _merge(ak, av, bk, bv):
    rbk = lax.rev(bk, (0,))
    rbv = lax.rev(bv, (0,))
    m = ak >= rbk
    hk = jnp.where(m, ak, rbk)
    hv = jnp.where(m, av, rbv)
    return plsc.sort_key_val(hk, hv, descending=True)


def _sc_topk(logits_flat, s):
    nt = s // _NWORKER
    mesh = plsc.VectorSubcoreMesh(core_axis_name="c", subcore_axis_name="s")

    @functools.partial(
        pl.kernel,
        mesh=mesh,
        out_type=[
            jax.ShapeDtypeStruct((s * _TOP_K,), jnp.float32),
            jax.ShapeDtypeStruct((s * _TOP_K,), jnp.int32),
        ],
        scratch_types=[
            pltpu.VMEM((nt * _NUM_EXPERTS,), jnp.float32),
            pltpu.VMEM((nt * 16,), jnp.float32),
            pltpu.VMEM((nt * 16,), jnp.int32),
            pltpu.VMEM((nt * _TOP_K,), jnp.float32),
            pltpu.VMEM((nt * _TOP_K,), jnp.int32),
        ],
        compiler_params=pltpu.CompilerParams(needs_layout_passes=False),
    )
    def k(logits_hbm, topw_hbm, topi_hbm, lg_v, w_v, i_v, wc_v, ic_v):
        wid = lax.axis_index("s") * 2 + lax.axis_index("c")
        base = wid * nt
        pltpu.sync_copy(
            logits_hbm.at[pl.ds(base * _NUM_EXPERTS, nt * _NUM_EXPERTS)],
            lg_v,
        )
        io16 = lax.iota(jnp.int32, 16)
        mask8 = io16 < _TOP_K

        def body(t, carry):
            off = t * _NUM_EXPERTS
            k0 = lg_v[pl.ds(off, 16)]
            k1 = lg_v[pl.ds(off + 16, 16)]
            k2 = lg_v[pl.ds(off + 32, 16)]
            k3 = lg_v[pl.ds(off + 48, 16)]
            s0k, s0v = plsc.sort_key_val(k0, io16, descending=True)
            s1k, s1v = plsc.sort_key_val(k1, io16 + 16, descending=True)
            s2k, s2v = plsc.sort_key_val(k2, io16 + 32, descending=True)
            s3k, s3v = plsc.sort_key_val(k3, io16 + 48, descending=True)
            ak, av = _merge(s0k, s0v, s1k, s1v)
            bk, bv = _merge(s2k, s2v, s3k, s3v)
            mk, mv = _merge(ak, av, bk, bv)
            mx = jnp.max(mk)
            e = jnp.where(mask8, jnp.exp(mk - mx), jnp.float32(0.0))
            wv = e / jnp.sum(e)
            w_v[pl.ds(t * 16, 16)] = wv
            i_v[pl.ds(t * 16, 16)] = mv
            return carry

        lax.fori_loop(0, nt, body, 0)

        def compact(u, carry):
            gidx = u * 32 + io16 + jnp.where(mask8, 0, _TOP_K)
            wc_v[pl.ds(u * 16, 16)] = plsc.load_gather(w_v, [gidx])
            ic_v[pl.ds(u * 16, 16)] = plsc.load_gather(i_v, [gidx])
            return carry

        lax.fori_loop(0, nt // 2, compact, 0)
        pltpu.sync_copy(
            wc_v,
            topw_hbm.at[pl.ds(base * _TOP_K, nt * _TOP_K)],
        )
        pltpu.sync_copy(
            ic_v,
            topi_hbm.at[pl.ds(base * _TOP_K, nt * _TOP_K)],
        )

    return k(logits_flat)


@jax.jit
def kernel(hidden_states, gate_w):
    tokens = hidden_states.shape[0]
    s = tokens // _NSLICE
    logits_parts = []
    topw_parts = []
    topi_parts = []
    for i in range(_NSLICE):
        xi = jax.lax.slice_in_dim(hidden_states, i * s, (i + 1) * s, axis=0)
        lg = _tc_logits(xi, gate_w)
        logits_parts.append(lg)
        w8, i8 = _sc_topk(lg.reshape(-1), s)
        topw_parts.append(w8.reshape(s, _TOP_K))
        topi_parts.append(i8.reshape(s, _TOP_K))
    logits = jnp.concatenate(logits_parts, axis=0)
    topw = jnp.concatenate(topw_parts, axis=0)
    topi = jnp.concatenate(topi_parts, axis=0)
    return topw, topi, logits

# --- scband reference (transcript-rebuilt; emitter-appended) ---
"""Pipeline reference for scband-mo-erouter-33981781246590 (READ-ONLY COPY).

The authoritative reference and input builder live on the scoring server;
editing this copy changes nothing except your own understanding.
"""

import jax, jax.numpy as jnp
import numpy as np

HIDDEN = 4096
NUM_EXPERTS = 64
TOP_K = 8
TOKENS = 32768

def setup_inputs(seed: int = 0) -> dict:
    key = jax.random.key(seed)
    k1, k2 = jax.random.split(key)
    hidden_states = jax.random.normal(k1, (TOKENS, HIDDEN), dtype=jnp.float32)
    # nn.Linear(hidden_size, num_experts, bias=False): weight shape [num_experts, hidden_size]
    bound = 1.0 / np.sqrt(HIDDEN)
    gate_w = jax.random.uniform(k2, (NUM_EXPERTS, HIDDEN), dtype=jnp.float32, minval=-bound, maxval=bound)
    return {"hidden_states": hidden_states, "gate_w": gate_w}

def reference(hidden_states, gate_w):
    # router_logits = self.gate(hidden_states)
    router_logits = hidden_states @ gate_w.T  # [T, E]
    # routing_weights = softmax in float32
    routing_weights = jax.nn.softmax(router_logits.astype(jnp.float32), axis=-1)
    # top-k selection
    topk_weights, topk_indices = jax.lax.top_k(routing_weights, TOP_K)
    # renormalize
    topk_weights = topk_weights / jnp.sum(topk_weights, axis=-1, keepdims=True)
    topk_weights = topk_weights.astype(hidden_states.dtype)
    # aux losses (side-effect in torch module; computed here for fidelity but not returned)
    num_tokens = routing_weights.shape[0]
    expert_argmax = jnp.argmax(routing_weights, axis=-1)
    expert_mask = jax.nn.one_hot(expert_argmax, NUM_EXPERTS, dtype=jnp.float32)
    tokens_per_expert = expert_mask.sum(axis=0)
    router_prob_per_expert = routing_weights.mean(axis=0)
    aux_loss = NUM_EXPERTS * jnp.sum(tokens_per_expert / num_tokens * router_prob_per_expert)
    z_loss = jnp.mean(jnp.square(jax.nn.logsumexp(router_logits, axis=-1)))
    del aux_loss, z_loss
    return (topk_weights, topk_indices, router_logits)

if __name__ == "__main__":
    import jax
    _d = setup_inputs()
    print(jax.jit(kernel)(*tuple(_d.values())))

</pallas_src>

<mosaic_0001>
#map = affine_map<(d0, d1) -> (0)>
module attributes {stable_mosaic.version = 14 : i64} {
  func.func @k(%arg0: i32, %arg1: i32, %arg2: memref<524288xf32, #tpu.memory_space<hbm>>, %arg3: memref<65536xf32, #tpu.memory_space<hbm>>, %arg4: memref<65536xi32, #tpu.memory_space<hbm>>, %arg5: memref<16384xf32, #tpu.memory_space<vmem>>, %arg6: memref<4096xf32, #tpu.memory_space<vmem>>, %arg7: memref<4096xi32, #tpu.memory_space<vmem>>, %arg8: memref<2048xf32, #tpu.memory_space<vmem>>, %arg9: memref<2048xi32, #tpu.memory_space<vmem>>) attributes {dimension_semantics = [#tpu.dimension_semantics<core_parallel>, #tpu.dimension_semantics<subcore_parallel>], iteration_bounds = array<i64: 2, 16>, scalar_prefetch = 0 : i64, scratch_operands = 5 : i64, tpu.core_type = #tpu.core_type<sc_vector_subcore>, window_params = [{transform_indices = #map}, {transform_indices = #map}, {transform_indices = #map}]} {
    %mul3A = arith.constant 2 : i32
    %mul3A_0 = arith.muli %arg1, %mul3A : i32
    %add3A = arith.addi %mul3A_0, %arg0 : i32
    %mul3A_1 = arith.constant 256 : i32
    %mul3A_2 = arith.muli %add3A, %mul3A_1 : i32
    %mul3A_3 = arith.constant 64 : i32
    %mul3A_4 = arith.muli %mul3A_2, %mul3A_3 : i32
    "tpu.region"() ({
      %run_scoped3A = tpu.sem_alloc : memref<!tpu.dma_semaphore, #tpu.memory_space<semaphore_mem>>
      %dma_start3A = tpu.memref_slice %arg2[%mul3A_4] : memref<524288xf32, #tpu.memory_space<hbm>> -> memref<16384xf32, #tpu.memory_space<hbm>>
      %dma_start3A_22 = tpu.memref_slice %arg2[%mul3A_4] : memref<524288xf32, #tpu.memory_space<hbm>> -> memref<16384xf32, #tpu.memory_space<hbm>>
      tpu.enqueue_dma source(%dma_start3A_22 : memref<16384xf32, #tpu.memory_space<hbm>>) target(%arg5 : memref<16384xf32, #tpu.memory_space<vmem>>) target_semaphore(%run_scoped3A : memref<!tpu.dma_semaphore, #tpu.memory_space<semaphore_mem>>)
      %dma_wait3A = tpu.memref_slice %arg2[%mul3A_4] : memref<524288xf32, #tpu.memory_space<hbm>> -> memref<16384xf32, #tpu.memory_space<hbm>>
      %dma_wait3A_23 = tpu.memref_slice %arg2[%mul3A_4] : memref<524288xf32, #tpu.memory_space<hbm>> -> memref<16384xf32, #tpu.memory_space<hbm>>
      tpu.wait_dma2 semaphore(%run_scoped3A : memref<!tpu.dma_semaphore, #tpu.memory_space<semaphore_mem>>) src(%dma_wait3A_23 : memref<16384xf32, #tpu.memory_space<hbm>>) dst(%arg5 : memref<16384xf32, #tpu.memory_space<vmem>>)
      tpu.yield
    }) : () -> ()
    %iota3A = tpu.iota {dimensions = array<i32: 0>} : vector<16xi32>
    %lt3A = arith.constant 8 : i32
    %lt3A_5 = vector.broadcast %lt3A : i32 to vector<16xi32>
    %lt3A_6 = arith.cmpi slt, %iota3A, %lt3A_5 : vector<16xi32>
    %scan3A = arith.constant 0 : i32
    %scan3A_7 = arith.constant 0 : i32
    %scan3A_8 = arith.constant 256 : i32
    %scan3A_9 = arith.addi %scan3A_7, %scan3A_8 : i32
    %scan3A_10 = arith.constant 1 : i32
    scf.for %scan3A_22 = %scan3A_7 to %scan3A_9 step %scan3A_10  : i32 {
      %mul3A_23 = arith.constant 64 : i32
      %mul3A_24 = arith.muli %scan3A_22, %mul3A_23 : i32
      %get3A = arith.index_cast %mul3A_24 : i32 to index
      %get3A_25 = tpu.vector_load %arg5[%get3A] {strides = array<i32>} : memref<16384xf32, #tpu.memory_space<vmem>>, vector<16xf32>,
      %add3A_26 = arith.constant 16 : i32
      %add3A_27 = arith.addi %mul3A_24, %add3A_26 : i32
      %get3A_28 = arith.index_cast %add3A_27 : i32 to index
      %get3A_29 = tpu.vector_load %arg5[%get3A_28] {strides = array<i32>} : memref<16384xf32, #tpu.memory_space<vmem>>, vector<16xf32>,
      %add3A_30 = arith.constant 32 : i32
      %add3A_31 = arith.addi %mul3A_24, %add3A_30 : i32
      %get3A_32 = arith.index_cast %add3A_31 : i32 to index
      %get3A_33 = tpu.vector_load %arg5[%get3A_32] {strides = array<i32>} : memref<16384xf32, #tpu.memory_space<vmem>>, vector<16xf32>,
      %add3A_34 = arith.constant 48 : i32
      %add3A_35 = arith.addi %mul3A_24, %add3A_34 : i32
      %get3A_36 = arith.index_cast %add3A_35 : i32 to index
      %get3A_37 = tpu.vector_load %arg5[%get3A_36] {strides = array<i32>} : memref<16384xf32, #tpu.memory_space<vmem>>, vector<16xf32>,
      %masked_sort3A = arith.constant dense<true> : vector<16xi1>
      %masked_sort3A_38, %masked_sort3A_39, %masked_sort3A_40 = tpu.sort %get3A_25, %iota3A masked %masked_sort3A {descending = true} : (vector<16xf32>, vector<16xi32>, vector<16xi1>) -> (vector<16xi1>, vector<16xf32>, vector<16xi32>)
      %add3A_41 = arith.constant 16 : i32
      %add3A_42 = vector.broadcast %add3A_41 : i32 to vector<16xi32>
      %add3A_43 = arith.addi %iota3A, %add3A_42 : vector<16xi32>
      %masked_sort3A_44 = arith.constant dense<true> : vector<16xi1>
      %masked_sort3A_45, %masked_sort3A_46, %masked_sort3A_47 = tpu.sort %get3A_29, %add3A_43 masked %masked_sort3A_44 {descending = true} : (vector<16xf32>, vector<16xi32>, vector<16xi1>) -> (vector<16xi1>, vector<16xf32>, vector<16xi32>)
      %add3A_48 = arith.constant 32 : i32
      %add3A_49 = vector.broadcast %add3A_48 : i32 to vector<16xi32>
      %add3A_50 = arith.addi %iota3A, %add3A_49 : vector<16xi32>
      %masked_sort3A_51 = arith.constant dense<true> : vector<16xi1>
      %masked_sort3A_52, %masked_sort3A_53, %masked_sort3A_54 = tpu.sort %get3A_33, %add3A_50 masked %masked_sort3A_51 {descending = true} : (vector<16xf32>, vector<16xi32>, vector<16xi1>) -> (vector<16xi1>, vector<16xf32>, vector<16xi32>)
      %add3A_55 = arith.constant 48 : i32
      %add3A_56 = vector.broadcast %add3A_55 : i32 to vector<16xi32>
      %add3A_57 = arith.addi %iota3A, %add3A_56 : vector<16xi32>
      %masked_sort3A_58 = arith.constant dense<true> : vector<16xi1>
      %masked_sort3A_59, %masked_sort3A_60, %masked_sort3A_61 = tpu.sort %get3A_37, %add3A_57 masked %masked_sort3A_58 {descending = true} : (vector<16xf32>, vector<16xi32>, vector<16xi1>) -> (vector<16xi1>, vector<16xf32>, vector<16xi32>)
      %rev3A = arith.constant 15 : i32
      %rev3A_62 = vector.broadcast %rev3A : i32 to vector<16xi32>
      %rev3A_63 = tpu.iota {dimensions = array<i32: 0>} : vector<16xi32>
      %rev3A_64 = arith.subi %rev3A_62, %rev3A_63 : vector<16xi32>
      %rev3A_65 = tpu.dynamic_gather %masked_sort3A_46[%rev3A_64] in [0] : vector<16xf32>, vector<16xi32> -> vector<16xf32>
      %rev3A_66 = arith.constant 15 : i32
      %rev3A_67 = vector.broadcast %rev3A_66 : i32 to vector<16xi32>
      %rev3A_68 = tpu.iota {dimensions = array<i32: 0>} : vector<16xi32>
      %rev3A_69 = arith.subi %rev3A_67, %rev3A_68 : vector<16xi32>
      %rev3A_70 = tpu.dynamic_gather %masked_sort3A_47[%rev3A_69] in [0] : vector<16xi32>, vector<16xi32> -> vector<16xi32>
      %ge3A = arith.cmpf oge, %masked_sort3A_39, %rev3A_65 : vector<16xf32>
      %select_n3A = arith.select %ge3A, %masked_sort3A_39, %rev3A_65 : vector<16xi1>, vector<16xf32>
      %select_n3A_71 = arith.select %ge3A, %masked_sort3A_40, %rev3A_70 : vector<16xi1>, vector<16xi32>
      %masked_sort3A_72 = arith.constant dense<true> : vector<16xi1>
      %masked_sort3A_73, %masked_sort3A_74, %masked_sort3A_75 = tpu.sort %select_n3A, %select_n3A_71 masked %masked_sort3A_72 {descending = true} : (vector<16xf32>, vector<16xi32>, vector<16xi1>) -> (vector<16xi1>, vector<16xf32>, vector<16xi32>)
      %rev3A_76 = arith.constant 15 : i32
      %rev3A_77 = vector.broadcast %rev3A_76 : i32 to vector<16xi32>
      %rev3A_78 = tpu.iota {dimensions = array<i32: 0>} : vector<16xi32>
      %rev3A_79 = arith.subi %rev3A_77, %rev3A_78 : vector<16xi32>
      %rev3A_80 = tpu.dynamic_gather %masked_sort3A_60[%rev3A_79] in [0] : vector<16xf32>, vector<16xi32> -> vector<16xf32>
      %rev3A_81 = arith.constant 15 : i32
      %rev3A_82 = vector.broadcast %rev3A_81 : i32 to vector<16xi32>
      %rev3A_83 = tpu.iota {dimensions = array<i32: 0>} : vector<16xi32>
      %rev3A_84 = arith.subi %rev3A_82, %rev3A_83 : vector<16xi32>
      %rev3A_85 = tpu.dynamic_gather %masked_sort3A_61[%rev3A_84] in [0] : vector<16xi32>, vector<16xi32> -> vector<16xi32>
      %ge3A_86 = arith.cmpf oge, %masked_sort3A_53, %rev3A_80 : vector<16xf32>
      %select_n3A_87 = arith.select %ge3A_86, %masked_sort3A_53, %rev3A_80 : vector<16xi1>, vector<16xf32>
      %select_n3A_88 = arith.select %ge3A_86, %masked_sort3A_54, %rev3A_85 : vector<16xi1>, vector<16xi32>
      %masked_sort3A_89 = arith.constant dense<true> : vector<16xi1>
      %masked_sort3A_90, %masked_sort3A_91, %masked_sort3A_92 = tpu.sort %select_n3A_87, %select_n3A_88 masked %masked_sort3A_89 {descending = true} : (vector<16xf32>, vector<16xi32>, vector<16xi1>) -> (vector<16xi1>, vector<16xf32>, vector<16xi32>)
      %rev3A_93 = arith.constant 15 : i32
      %rev3A_94 = vector.broadcast %rev3A_93 : i32 to vector<16xi32>
      %rev3A_95 = tpu.iota {dimensions = array<i32: 0>} : vector<16xi32>
      %rev3A_96 = arith.subi %rev3A_94, %rev3A_95 : vector<16xi32>
      %rev3A_97 = tpu.dynamic_gather %masked_sort3A_91[%rev3A_96] in [0] : vector<16xf32>, vector<16xi32> -> vector<16xf32>
      %rev3A_98 = arith.constant 15 : i32
      %rev3A_99 = vector.broadcast %rev3A_98 : i32 to vector<16xi32>
      %rev3A_100 = tpu.iota {dimensions = array<i32: 0>} : vector<16xi32>
      %rev3A_101 = arith.subi %rev3A_99, %rev3A_100 : vector<16xi32>
      %rev3A_102 = tpu.dynamic_gather %masked_sort3A_92[%rev3A_101] in [0] : vector<16xi32>, vector<16xi32> -> vector<16xi32>
      %ge3A_103 = arith.cmpf oge, %masked_sort3A_74, %rev3A_97 : vector<16xf32>
      %select_n3A_104 = arith.select %ge3A_103, %masked_sort3A_74, %rev3A_97 : vector<16xi1>, vector<16xf32>
      %select_n3A_105 = arith.select %ge3A_103, %masked_sort3A_75, %rev3A_102 : vector<16xi1>, vector<16xi32>
      %masked_sort3A_106 = arith.constant dense<true> : vector<16xi1>
      %masked_sort3A_107, %masked_sort3A_108, %masked_sort3A_109 = tpu.sort %select_n3A_104, %select_n3A_105 masked %masked_sort3A_106 {descending = true} : (vector<16xf32>, vector<16xi32>, vector<16xi1>) -> (vector<16xi1>, vector<16xf32>, vector<16xi32>)
      %reduce_max3A = arith.constant true
      %reduce_max3A_110 = vector.broadcast %reduce_max3A : i1 to vector<16xi1>
      %reduce_max3A_111 = tpu.scan <max>, %masked_sort3A_108 masked %reduce_max3A_110 : vector<16xf32>, vector<16xi1> -> vector<16xf32>
      %reduce_max3A_112 = vector.extract %reduce_max3A_111[15] : f32 from vector<16xf32>
      %sub3A = vector.broadcast %reduce_max3A_112 : f32 to vector<16xf32>
      %sub3A_113 = arith.subf %masked_sort3A_108, %sub3A : vector<16xf32>
      %exp3A = math.exp %sub3A_113 : vector<16xf32>
      %jit3A = arith.constant 0.000000e+00 : f32
      %broadcast_in_dim3A = vector.broadcast %jit3A : f32 to vector<16xf32>
      %select_n3A_114 = arith.select %lt3A_6, %exp3A, %broadcast_in_dim3A : vector<16xi1>, vector<16xf32>
      %reduce_sum3A = arith.constant true
      %reduce_sum3A_115 = vector.broadcast %reduce_sum3A : i1 to vector<16xi1>
      %reduce_sum3A_116 = tpu.scan <sum>, %select_n3A_114 masked %reduce_sum3A_115 : vector<16xf32>, vector<16xi1> -> vector<16xf32>
      %reduce_sum3A_117 = vector.extract %reduce_sum3A_116[15] : f32 from vector<16xf32>
      %div3A = vector.broadcast %reduce_sum3A_117 : f32 to vector<16xf32>
      %div3A_118 = arith.divf %select_n3A_114, %div3A : vector<16xf32>
      %mul3A_119 = arith.constant 16 : i32
      %mul3A_120 = arith.muli %scan3A_22, %mul3A_119 : i32
      %swap3A = arith.index_cast %mul3A_120 : i32 to index
      %swap3A_121 = tpu.vector_load %arg6[%swap3A] {strides = array<i32>} : memref<4096xf32, #tpu.memory_space<vmem>>, vector<16xf32>,
      tpu.vector_store %arg6[%swap3A], %div3A_118 {strides = array<i32>} : memref<4096xf32, #tpu.memory_space<vmem>>, vector<16xf32>,
      %mul3A_122 = arith.constant 16 : i32
      %mul3A_123 = arith.muli %scan3A_22, %mul3A_122 : i32
      %swap3A_124 = arith.index_cast %mul3A_123 : i32 to index
      %swap3A_125 = tpu.vector_load %arg7[%swap3A_124] {strides = array<i32>} : memref<4096xi32, #tpu.memory_space<vmem>>, vector<16xi32>,
      tpu.vector_store %arg7[%swap3A_124], %masked_sort3A_109 {strides = array<i32>} : memref<4096xi32, #tpu.memory_space<vmem>>, vector<16xi32>,
    }
    %scan3A_11 = arith.constant 256 : i32
    %scan3A_12 = arith.constant 0 : i32
    %scan3A_13 = arith.constant 0 : i32
    %scan3A_14 = arith.constant 128 : i32
    %scan3A_15 = arith.addi %scan3A_13, %scan3A_14 : i32
    %scan3A_16 = arith.constant 1 : i32
    scf.for %scan3A_22 = %scan3A_13 to %scan3A_15 step %scan3A_16  : i32 {
      %mul3A_23 = arith.constant 32 : i32
      %mul3A_24 = arith.muli %scan3A_22, %mul3A_23 : i32
      %add3A_25 = vector.broadcast %mul3A_24 : i32 to vector<16xi32>
      %add3A_26 = arith.addi %add3A_25, %iota3A : vector<16xi32>
      %jit3A = arith.constant 0 : i32
      %jit3A_27 = arith.constant 8 : i32
      %broadcast_in_dim3A = vector.broadcast %jit3A : i32 to vector<16xi32>
      %broadcast_in_dim3A_28 = vector.broadcast %jit3A_27 : i32 to vector<16xi32>
      %select_n3A = arith.select %lt3A_6, %broadcast_in_dim3A, %broadcast_in_dim3A_28 : vector<16xi1>, vector<16xi32>
      %add3A_29 = arith.addi %add3A_26, %select_n3A : vector<16xi32>
      %gather3A = tpu.vector_load_idx %arg6[%add3A_29] : memref<4096xf32, #tpu.memory_space<vmem>>[vector<16xi32>], vector<16xf32>,
      %mul3A_30 = arith.constant 16 : i32
      %mul3A_31 = arith.muli %scan3A_22, %mul3A_30 : i32
      %swap3A = arith.index_cast %mul3A_31 : i32 to index
      %swap3A_32 = tpu.vector_load %arg8[%swap3A] {strides = array<i32>} : memref<2048xf32, #tpu.memory_space<vmem>>, vector<16xf32>,
      tpu.vector_store %arg8[%swap3A], %gather3A {strides = array<i32>} : memref<2048xf32, #tpu.memory_space<vmem>>, vector<16xf32>,
      %gather3A_33 = tpu.vector_load_idx %arg7[%add3A_29] : memref<4096xi32, #tpu.memory_space<vmem>>[vector<16xi32>], vector<16xi32>,
      %mul3A_34 = arith.constant 16 : i32
      %mul3A_35 = arith.muli %scan3A_22, %mul3A_34 : i32
      %swap3A_36 = arith.index_cast %mul3A_35 : i32 to index
      %swap3A_37 = tpu.vector_load %arg9[%swap3A_36] {strides = array<i32>} : memref<2048xi32, #tpu.memory_space<vmem>>, vector<16xi32>,
      tpu.vector_store %arg9[%swap3A_36], %gather3A_33 {strides = array<i32>} : memref<2048xi32, #tpu.memory_space<vmem>>, vector<16xi32>,
    }
    %scan3A_17 = arith.constant 128 : i32
    %mul3A_18 = arith.constant 8 : i32
    %mul3A_19 = arith.muli %mul3A_2, %mul3A_18 : i32
    "tpu.region"() ({
      %run_scoped3A = tpu.sem_alloc : memref<!tpu.dma_semaphore, #tpu.memory_space<semaphore_mem>>
      %dma_start3A = tpu.memref_slice %arg3[%mul3A_19] : memref<65536xf32, #tpu.memory_space<hbm>> -> memref<2048xf32, #tpu.memory_space<hbm>>
      %dma_start3A_22 = tpu.memref_slice %arg3[%mul3A_19] : memref<65536xf32, #tpu.memory_space<hbm>> -> memref<2048xf32, #tpu.memory_space<hbm>>
      tpu.enqueue_dma source(%arg8 : memref<2048xf32, #tpu.memory_space<vmem>>) target(%dma_start3A_22 : memref<2048xf32, #tpu.memory_space<hbm>>) target_semaphore(%run_scoped3A : memref<!tpu.dma_semaphore, #tpu.memory_space<semaphore_mem>>)
      %dma_wait3A = tpu.memref_slice %arg3[%mul3A_19] : memref<65536xf32, #tpu.memory_space<hbm>> -> memref<2048xf32, #tpu.memory_space<hbm>>
      %dma_wait3A_23 = tpu.memref_slice %arg3[%mul3A_19] : memref<65536xf32, #tpu.memory_space<hbm>> -> memref<2048xf32, #tpu.memory_space<hbm>>
      tpu.wait_dma2 semaphore(%run_scoped3A : memref<!tpu.dma_semaphore, #tpu.memory_space<semaphore_mem>>) src(%arg8 : memref<2048xf32, #tpu.memory_space<vmem>>) dst(%dma_wait3A_23 : memref<2048xf32, #tpu.memory_space<hbm>>)
      tpu.yield
    }) : () -> ()
    %mul3A_20 = arith.constant 8 : i32
    %mul3A_21 = arith.muli %mul3A_2, %mul3A_20 : i32
    "tpu.region"() ({
      %run_scoped3A = tpu.sem_alloc : memref<!tpu.dma_semaphore, #tpu.memory_space<semaphore_mem>>
      %dma_start3A = tpu.memref_slice %arg4[%mul3A_21] : memref<65536xi32, #tpu.memory_space<hbm>> -> memref<2048xi32, #tpu.memory_space<hbm>>
      %dma_start3A_22 = tpu.memref_slice %arg4[%mul3A_21] : memref<65536xi32, #tpu.memory_space<hbm>> -> memref<2048xi32, #tpu.memory_space<hbm>>
      tpu.enqueue_dma source(%arg9 : memref<2048xi32, #tpu.memory_space<vmem>>) target(%dma_start3A_22 : memref<2048xi32, #tpu.memory_space<hbm>>) target_semaphore(%run_scoped3A : memref<!tpu.dma_semaphore, #tpu.memory_space<semaphore_mem>>)
      %dma_wait3A = tpu.memref_slice %arg4[%mul3A_21] : memref<65536xi32, #tpu.memory_space<hbm>> -> memref<2048xi32, #tpu.memory_space<hbm>>
      %dma_wait3A_23 = tpu.memref_slice %arg4[%mul3A_21] : memref<65536xi32, #tpu.memory_space<hbm>> -> memref<2048xi32, #tpu.memory_space<hbm>>
      tpu.wait_dma2 semaphore(%run_scoped3A : memref<!tpu.dma_semaphore, #tpu.memory_space<semaphore_mem>>) src(%arg9 : memref<2048xi32, #tpu.memory_space<vmem>>) dst(%dma_wait3A_23 : memref<2048xi32, #tpu.memory_space<hbm>>)
      tpu.yield
    }) : () -> ()
    return
  }
}

#map = affine_map<(d0, d1) -> (0)>
module attributes {stable_mosaic.version = 14 : i64} {
  func.func @k(%arg0: i32, %arg1: i32, %arg2: memref<524288xf32, #tpu.memory_space<hbm>>, %arg3: memref<65536xf32, #tpu.memory_space<hbm>>, %arg4: memref<65536xi32, #tpu.memory_space<hbm>>, %arg5: memref<16384xf32, #tpu.memory_space<vmem>>, %arg6: memref<4096xf32, #tpu.memory_space<vmem>>, %arg7: memref<4096xi32, #tpu.memory_space<vmem>>, %arg8: memref<2048xf32, #tpu.memory_space<vmem>>, %arg9: memref<2048xi32, #tpu.memory_space<vmem>>) attributes {dimension_semantics = [#tpu.dimension_semantics<core_parallel>, #tpu.dimension_semantics<subcore_parallel>], iteration_bounds = array<i64: 2, 16>, scalar_prefetch = 0 : i64, scratch_operands = 5 : i64, tpu.core_type = #tpu.core_type<sc_vector_subcore>, window_params = [{transform_indices = #map}, {transform_indices = #map}, {transform_indices = #map}]} {
    %mul3A = arith.constant 2 : i32
    %mul3A_0 = arith.muli %arg1, %mul3A : i32
    %add3A = arith.addi %mul3A_0, %arg0 : i32
    %mul3A_1 = arith.constant 256 : i32
    %mul3A_2 = arith.muli %add3A, %mul3A_1 : i32
    %mul3A_3 = arith.constant 64 : i32
    %mul3A_4 = arith.muli %mul3A_2, %mul3A_3 : i32
    "tpu.region"() ({
      %run_scoped3A = tpu.sem_alloc : memref<!tpu.dma_semaphore, #tpu.memory_space<semaphore_mem>>
      %dma_start3A = tpu.memref_slice %arg2[%mul3A_4] : memref<524288xf32, #tpu.memory_space<hbm>> -> memref<16384xf32, #tpu.memory_space<hbm>>
      %dma_start3A_22 = tpu.memref_slice %arg2[%mul3A_4] : memref<524288xf32, #tpu.memory_space<hbm>> -> memref<16384xf32, #tpu.memory_space<hbm>>
      tpu.enqueue_dma source(%dma_start3A_22 : memref<16384xf32, #tpu.memory_space<hbm>>) target(%arg5 : memref<16384xf32, #tpu.memory_space<vmem>>) target_semaphore(%run_scoped3A : memref<!tpu.dma_semaphore, #tpu.memory_space<semaphore_mem>>)
      %dma_wait3A = tpu.memref_slice %arg2[%mul3A_4] : memref<524288xf32, #tpu.memory_space<hbm>> -> memref<16384xf32, #tpu.memory_space<hbm>>
      %dma_wait3A_23 = tpu.memref_slice %arg2[%mul3A_4] : memref<524288xf32, #tpu.memory_space<hbm>> -> memref<16384xf32, #tpu.memory_space<hbm>>
      tpu.wait_dma2 semaphore(%run_scoped3A : memref<!tpu.dma_semaphore, #tpu.memory_space<semaphore_mem>>) src(%dma_wait3A_23 : memref<16384xf32, #tpu.memory_space<hbm>>) dst(%arg5 : memref<16384xf32, #tpu.memory_space<vmem>>)
      tpu.yield
    }) : () -> ()
    %iota3A = tpu.iota {dimensions = array<i32: 0>} : vector<16xi32>
    %lt3A = arith.constant 8 : i32
    %lt3A_5 = vector.broadcast %lt3A : i32 to vector<16xi32>
    %lt3A_6 = arith.cmpi slt, %iota3A, %lt3A_5 : vector<16xi32>
    %scan3A = arith.constant 0 : i32
    %scan3A_7 = arith.constant 0 : i32
    %scan3A_8 = arith.constant 256 : i32
    %scan3A_9 = arith.addi %scan3A_7, %scan3A_8 : i32
    %scan3A_10 = arith.constant 1 : i32
    scf.for %scan3A_22 = %scan3A_7 to %scan3A_9 step %scan3A_10  : i32 {
      %mul3A_23 = arith.constant 64 : i32
      %mul3A_24 = arith.muli %scan3A_22, %mul3A_23 : i32
      %get3A = arith.index_cast %mul3A_24 : i32 to index
      %get3A_25 = tpu.vector_load %arg5[%get3A] {strides = array<i32>} : memref<16384xf32, #tpu.memory_space<vmem>>, vector<16xf32>,
      %add3A_26 = arith.constant 16 : i32
      %add3A_27 = arith.addi %mul3A_24, %add3A_26 : i32
      %get3A_28 = arith.index_cast %add3A_27 : i32 to index
      %get3A_29 = tpu.vector_load %arg5[%get3A_28] {strides = array<i32>} : memref<16384xf32, #tpu.memory_space<vmem>>, vector<16xf32>,
      %add3A_30 = arith.constant 32 : i32
      %add3A_31 = arith.addi %mul3A_24, %add3A_30 : i32
      %get3A_32 = arith.index_cast %add3A_31 : i32 to index
      %get3A_33 = tpu.vector_load %arg5[%get3A_32] {strides = array<i32>} : memref<16384xf32, #tpu.memory_space<vmem>>, vector<16xf32>,
      %add3A_34 = arith.constant 48 : i32
      %add3A_35 = arith.addi %mul3A_24, %add3A_34 : i32
      %get3A_36 = arith.index_cast %add3A_35 : i32 to index
      %get3A_37 = tpu.vector_load %arg5[%get3A_36] {strides = array<i32>} : memref<16384xf32, #tpu.memory_space<vmem>>, vector<16xf32>,
      %masked_sort3A = arith.constant dense<true> : vector<16xi1>
      %masked_sort3A_38, %masked_sort3A_39, %masked_sort3A_40 = tpu.sort %get3A_25, %iota3A masked %masked_sort3A {descending = true} : (vector<16xf32>, vector<16xi32>, vector<16xi1>) -> (vector<16xi1>, vector<16xf32>, vector<16xi32>)
      %add3A_41 = arith.constant 16 : i32
      %add3A_42 = vector.broadcast %add3A_41 : i32 to vector<16xi32>
      %add3A_43 = arith.addi %iota3A, %add3A_42 : vector<16xi32>
      %masked_sort3A_44 = arith.constant dense<true> : vector<16xi1>
      %masked_sort3A_45, %masked_sort3A_46, %masked_sort3A_47 = tpu.sort %get3A_29, %add3A_43 masked %masked_sort3A_44 {descending = true} : (vector<16xf32>, vector<16xi32>, vector<16xi1>) -> (vector<16xi1>, vector<16xf32>, vector<16xi32>)
      %add3A_48 = arith.constant 32 : i32
      %add3A_49 = vector.broadcast %add3A_48 : i32 to vector<16xi32>
      %add3A_50 = arith.addi %iota3A, %add3A_49 : vector<16xi32>
      %masked_sort3A_51 = arith.constant dense<true> : vector<16xi1>
      %masked_sort3A_52, %masked_sort3A_53, %masked_sort3A_54 = tpu.sort %get3A_33, %add3A_50 masked %masked_sort3A_51 {descending = true} : (vector<16xf32>, vector<16xi32>, vector<16xi1>) -> (vector<16xi1>, vector<16xf32>, vector<16xi32>)
      %add3A_55 = arith.constant 48 : i32
      %add3A_56 = vector.broadcast %add3A_55 : i32 to vector<16xi32>
      %add3A_57 = arith.addi %iota3A, %add3A_56 : vector<16xi32>
      %masked_sort3A_58 = arith.constant dense<true> : vector<16xi1>
      %masked_sort3A_59, %masked_sort3A_60, %masked_sort3A_61 = tpu.sort %get3A_37, %add3A_57 masked %masked_sort3A_58 {descending = true} : (vector<16xf32>, vector<16xi32>, vector<16xi1>) -> (vector<16xi1>, vector<16xf32>, vector<16xi32>)
      %rev3A = arith.constant 15 : i32
      %rev3A_62 = vector.broadcast %rev3A : i32 to vector<16xi32>
      %rev3A_63 = tpu.iota {dimensions = array<i32: 0>} : vector<16xi32>
      %rev3A_64 = arith.subi %rev3A_62, %rev3A_63 : vector<16xi32>
      %rev3A_65 = tpu.dynamic_gather %masked_sort3A_46[%rev3A_64] in [0] : vector<16xf32>, vector<16xi32> -> vector<16xf32>
      %rev3A_66 = arith.constant 15 : i32
      %rev3A_67 = vector.broadcast %rev3A_66 : i32 to vector<16xi32>
      %rev3A_68 = tpu.iota {dimensions = array<i32: 0>} : vector<16xi32>
      %rev3A_69 = arith.subi %rev3A_67, %rev3A_68 : vector<16xi32>
      %rev3A_70 = tpu.dynamic_gather %masked_sort3A_47[%rev3A_69] in [0] : vector<16xi32>, vector<16xi32> -> vector<16xi32>
      %ge3A = arith.cmpf oge, %masked_sort3A_39, %rev3A_65 : vector<16xf32>
      %select_n3A = arith.select %ge3A, %masked_sort3A_39, %rev3A_65 : vector<16xi1>, vector<16xf32>
      %select_n3A_71 = arith.select %ge3A, %masked_sort3A_40, %rev3A_70 : vector<16xi1>, vector<16xi32>
      %masked_sort3A_72 = arith.constant dense<true> : vector<16xi1>
      %masked_sort3A_73, %masked_sort3A_74, %masked_sort3A_75 = tpu.sort %select_n3A, %select_n3A_71 masked %masked_sort3A_72 {descending = true} : (vector<16xf32>, vector<16xi32>, vector<16xi1>) -> (vector<16xi1>, vector<16xf32>, vector<16xi32>)
      %rev3A_76 = arith.constant 15 : i32
      %rev3A_77 = vector.broadcast %rev3A_76 : i32 to vector<16xi32>
      %rev3A_78 = tpu.iota {dimensions = array<i32: 0>} : vector<16xi32>
      %rev3A_79 = arith.subi %rev3A_77, %rev3A_78 : vector<16xi32>
      %rev3A_80 = tpu.dynamic_gather %masked_sort3A_60[%rev3A_79] in [0] : vector<16xf32>, vector<16xi32> -> vector<16xf32>
      %rev3A_81 = arith.constant 15 : i32
      %rev3A_82 = vector.broadcast %rev3A_81 : i32 to vector<16xi32>
      %rev3A_83 = tpu.iota {dimensions = array<i32: 0>} : vector<16xi32>
      %rev3A_84 = arith.subi %rev3A_82, %rev3A_83 : vector<16xi32>
      %rev3A_85 = tpu.dynamic_gather %masked_sort3A_61[%rev3A_84] in [0] : vector<16xi32>, vector<16xi32> -> vector<16xi32>
      %ge3A_86 = arith.cmpf oge, %masked_sort3A_53, %rev3A_80 : vector<16xf32>
      %select_n3A_87 = arith.select %ge3A_86, %masked_sort3A_53, %rev3A_80 : vector<16xi1>, vector<16xf32>
      %select_n3A_88 = arith.select %ge3A_86, %masked_sort3A_54, %rev3A_85 : vector<16xi1>, vector<16xi32>
      %masked_sort3A_89 = arith.constant dense<true> : vector<16xi1>
      %masked_sort3A_90, %masked_sort3A_91, %masked_sort3A_92 = tpu.sort %select_n3A_87, %select_n3A_88 masked %masked_sort3A_89 {descending = true} : (vector<16xf32>, vector<16xi32>, vector<16xi1>) -> (vector<16xi1>, vector<16xf32>, vector<16xi32>)
      %rev3A_93 = arith.constant 15 : i32
      %rev3A_94 = vector.broadcast %rev3A_93 : i32 to vector<16xi32>
      %rev3A_95 = tpu.iota {dimensions = array<i32: 0>} : vector<16xi32>
      %rev3A_96 = arith.subi %rev3A_94, %rev3A_95 : vector<16xi32>
      %rev3A_97 = tpu.dynamic_gather %masked_sort3A_91[%rev3A_96] in [0] : vector<16xf32>, vector<16xi32> -> vector<16xf32>
      %rev3A_98 = arith.constant 15 : i32
      %rev3A_99 = vector.broadcast %rev3A_98 : i32 to vector<16xi32>
      %rev3A_100 = tpu.iota {dimensions = array<i32: 0>} : vector<16xi32>
      %rev3A_101 = arith.subi %rev3A_99, %rev3A_100 : vector<16xi32>
      %rev3A_102 = tpu.dynamic_gather %masked_sort3A_92[%rev3A_101] in [0] : vector<16xi32>, vector<16xi32> -> vector<16xi32>
      %ge3A_103 = arith.cmpf oge, %masked_sort3A_74, %rev3A_97 : vector<16xf32>
      %select_n3A_104 = arith.select %ge3A_103, %masked_sort3A_74, %rev3A_97 : vector<16xi1>, vector<16xf32>
      %select_n3A_105 = arith.select %ge3A_103, %masked_sort3A_75, %rev3A_102 : vector<16xi1>, vector<16xi32>
      %masked_sort3A_106 = arith.constant dense<true> : vector<16xi1>
      %masked_sort3A_107, %masked_sort3A_108, %masked_sort3A_109 = tpu.sort %select_n3A_104, %select_n3A_105 masked %masked_sort3A_106 {descending = true} : (vector<16xf32>, vector<16xi32>, vector<16xi1>) -> (vector<16xi1>, vector<16xf32>, vector<16xi32>)
      %reduce_max3A = arith.constant true
      %reduce_max3A_110 = vector.broadcast %reduce_max3A : i1 to vector<16xi1>
      %reduce_max3A_111 = tpu.scan <max>, %masked_sort3A_108 masked %reduce_max3A_110 : vector<16xf32>, vector<16xi1> -> vector<16xf32>
      %reduce_max3A_112 = vector.extract %reduce_max3A_111[15] : f32 from vector<16xf32>
      %sub3A = vector.broadcast %reduce_max3A_112 : f32 to vector<16xf32>
      %sub3A_113 = arith.subf %masked_sort3A_108, %sub3A : vector<16xf32>
      %exp3A = math.exp %sub3A_113 : vector<16xf32>
      %jit3A = arith.constant 0.000000e+00 : f32
      %broadcast_in_dim3A = vector.broadcast %jit3A : f32 to vector<16xf32>
      %select_n3A_114 = arith.select %lt3A_6, %exp3A, %broadcast_in_dim3A : vector<16xi1>, vector<16xf32>
      %reduce_sum3A = arith.constant true
      %reduce_sum3A_115 = vector.broadcast %reduce_sum3A : i1 to vector<16xi1>
      %reduce_sum3A_116 = tpu.scan <sum>, %select_n3A_114 masked %reduce_sum3A_115 : vector<16xf32>, vector<16xi1> -> vector<16xf32>
      %reduce_sum3A_117 = vector.extract %reduce_sum3A_116[15] : f32 from vector<16xf32>
      %div3A = vector.broadcast %reduce_sum3A_117 : f32 to vector<16xf32>
      %div3A_118 = arith.divf %select_n3A_114, %div3A : vector<16xf32>
      %mul3A_119 = arith.constant 16 : i32
      %mul3A_120 = arith.muli %scan3A_22, %mul3A_119 : i32
      %swap3A = arith.index_cast %mul3A_120 : i32 to index
      %swap3A_121 = tpu.vector_load %arg6[%swap3A] {strides = array<i32>} : memref<4096xf32, #tpu.memory_space<vmem>>, vector<16xf32>,
      tpu.vector_store %arg6[%swap3A], %div3A_118 {strides = array<i32>} : memref<4096xf32, #tpu.memory_space<vmem>>, vector<16xf32>,
      %mul3A_122 = arith.constant 16 : i32
      %mul3A_123 = arith.muli %scan3A_22, %mul3A_122 : i32
      %swap3A_124 = arith.index_cast %mul3A_123 : i32 to index
      %swap3A_125 = tpu.vector_load %arg7[%swap3A_124] {strides = array<i32>} : memref<4096xi32, #tpu.memory_space<vmem>>, vector<16xi32>,
      tpu.vector_store %arg7[%swap3A_124], %masked_sort3A_109 {strides = array<i32>} : memref<4096xi32, #tpu.memory_space<vmem>>, vector<16xi32>,
    }
    %scan3A_11 = arith.constant 256 : i32
    %scan3A_12 = arith.constant 0 : i32
    %scan3A_13 = arith.constant 0 : i32
    %scan3A_14 = arith.constant 128 : i32
    %scan3A_15 = arith.addi %scan3A_13, %scan3A_14 : i32
    %scan3A_16 = arith.constant 1 : i32
    scf.for %scan3A_22 = %scan3A_13 to %scan3A_15 step %scan3A_16  : i32 {
      %mul3A_23 = arith.constant 32 : i32
      %mul3A_24 = arith.muli %scan3A_22, %mul3A_23 : i32
      %add3A_25 = vector.broadcast %mul3A_24 : i32 to vector<16xi32>
      %add3A_26 = arith.addi %add3A_25, %iota3A : vector<16xi32>
      %jit3A = arith.constant 0 : i32
      %jit3A_27 = arith.constant 8 : i32
      %broadcast_in_dim3A = vector.broadcast %jit3A : i32 to vector<16xi32>
      %broadcast_in_dim3A_28 = vector.broadcast %jit3A_27 : i32 to vector<16xi32>
      %select_n3A = arith.select %lt3A_6, %broadcast_in_dim3A, %broadcast_in_dim3A_28 : vector<16xi1>, vector<16xi32>
      %add3A_29 = arith.addi %add3A_26, %select_n3A : vector<16xi32>
      %gather3A = tpu.vector_load_idx %arg6[%add3A_29] : memref<4096xf32, #tpu.memory_space<vmem>>[vector<16xi32>], vector<16xf32>,
      %mul3A_30 = arith.constant 16 : i32
      %mul3A_31 = arith.muli %scan3A_22, %mul3A_30 : i32
      %swap3A = arith.index_cast %mul3A_31 : i32 to index
      %swap3A_32 = tpu.vector_load %arg8[%swap3A] {strides = array<i32>} : memref<2048xf32, #tpu.memory_space<vmem>>, vector<16xf32>,
      tpu.vector_store %arg8[%swap3A], %gather3A {strides = array<i32>} : memref<2048xf32, #tpu.memory_space<vmem>>, vector<16xf32>,
      %gather3A_33 = tpu.vector_load_idx %arg7[%add3A_29] : memref<4096xi32, #tpu.memory_space<vmem>>[vector<16xi32>], vector<16xi32>,
      %mul3A_34 = arith.constant 16 : i32
      %mul3A_35 = arith.muli %scan3A_22, %mul3A_34 : i32
      %swap3A_36 = arith.index_cast %mul3A_35 : i32 to index
      %swap3A_37 = tpu.vector_load %arg9[%swap3A_36] {strides = array<i32>} : memref<2048xi32, #tpu.memory_space<vmem>>, vector<16xi32>,
      tpu.vector_store %arg9[%swap3A_36], %gather3A_33 {strides = array<i32>} : memref<2048xi32, #tpu.memory_space<vmem>>, vector<16xi32>,
    }
    %scan3A_17 = arith.constant 128 : i32
    %mul3A_18 = arith.constant 8 : i32
    %mul3A_19 = arith.muli %mul3A_2, %mul3A_18 : i32
    "tpu.region"() ({
      %run_scoped3A = tpu.sem_alloc : memref<!tpu.dma_semaphore, #tpu.memory_space<semaphore_mem>>
      %dma_start3A = tpu.memref_slice %arg3[%mul3A_19] : memref<65536xf32, #tpu.memory_space<hbm>> -> memref<2048xf32, #tpu.memory_space<hbm>>
      %dma_start3A_22 = tpu.memref_slice %arg3[%mul3A_19] : memref<65536xf32, #tpu.memory_space<hbm>> -> memref<2048xf32, #tpu.memory_space<hbm>>
      tpu.enqueue_dma source(%arg8 : memref<2048xf32, #tpu.memory_space<vmem>>) target(%dma_start3A_22 : memref<2048xf32, #tpu.memory_space<hbm>>) target_semaphore(%run_scoped3A : memref<!tpu.dma_semaphore, #tpu.memory_space<semaphore_mem>>)
      %dma_wait3A = tpu.memref_slice %arg3[%mul3A_19] : memref<65536xf32, #tpu.memory_space<hbm>> -> memref<2048xf32, #tpu.memory_space<hbm>>
      %dma_wait3A_23 = tpu.memref_slice %arg3[%mul3A_19] : memref<65536xf32, #tpu.memory_space<hbm>> -> memref<2048xf32, #tpu.memory_space<hbm>>
      tpu.wait_dma2 semaphore(%run_scoped3A : memref<!tpu.dma_semaphore, #tpu.memory_space<semaphore_mem>>) src(%arg8 : memref<2048xf32, #tpu.memory_space<vmem>>) dst(%dma_wait3A_23 : memref<2048xf32, #tpu.memory_space<hbm>>)
      tpu.yield
    }) : () -> ()
    %mul3A_20 = arith.constant 8 : i32
    %mul3A_21 = arith.muli %mul3A_2, %mul3A_20 : i32
    "tpu.region"() ({
      %run_scoped3A = tpu.sem_alloc : memref<!tpu.dma_semaphore, #tpu.memory_space<semaphore_mem>>
      %dma_start3A = tpu.memref_slice %arg4[%mul3A_21] : memref<65536xi32, #tpu.memory_space<hbm>> -> memref<2048xi32, #tpu.memory_space<hbm>>
      %dma_start3A_22 = tpu.memref_slice %arg4[%mul3A_21] : memref<65536xi32, #tpu.memory_space<hbm>> -> memref<2048xi32, #tpu.memory_space<hbm>>
      tpu.enqueue_dma source(%arg9 : memref<2048xi32, #tpu.memory_space<vmem>>) target(%dma_start3A_22 : memref<2048xi32, #tpu.memory_space<hbm>>) target_semaphore(%run_scoped3A : memref<!tpu.dma_semaphore, #tpu.memory_space<semaphore_mem>>)
      %dma_wait3A = tpu.memref_slice %arg4[%mul3A_21] : memref<65536xi32, #tpu.memory_space<hbm>> -> memref<2048xi32, #tpu.memory_space<hbm>>
      %dma_wait3A_23 = tpu.memref_slice %arg4[%mul3A_21] : memref<65536xi32, #tpu.memory_space<hbm>> -> memref<2048xi32, #tpu.memory_space<hbm>>
      tpu.wait_dma2 semaphore(%run_scoped3A : memref<!tpu.dma_semaphore, #tpu.memory_space<semaphore_mem>>) src(%arg9 : memref<2048xi32, #tpu.memory_space<vmem>>) dst(%dma_wait3A_23 : memref<2048xi32, #tpu.memory_space<hbm>>)
      tpu.yield
    }) : () -> ()
    return
  }
}

#map = affine_map<(d0, d1) -> (0)>
module attributes {stable_mosaic.version = 14 : i64} {
  func.func @k(%arg0: i32, %arg1: i32, %arg2: memref<524288xf32, #tpu.memory_space<hbm>>, %arg3: memref<65536xf32, #tpu.memory_space<hbm>>, %arg4: memref<65536xi32, #tpu.memory_space<hbm>>, %arg5: memref<16384xf32, #tpu.memory_space<vmem>>, %arg6: memref<4096xf32, #tpu.memory_space<vmem>>, %arg7: memref<4096xi32, #tpu.memory_space<vmem>>, %arg8: memref<2048xf32, #tpu.memory_space<vmem>>, %arg9: memref<2048xi32, #tpu.memory_space<vmem>>) attributes {dimension_semantics = [#tpu.dimension_semantics<core_parallel>, #tpu.dimension_semantics<subcore_parallel>], iteration_bounds = array<i64: 2, 16>, scalar_prefetch = 0 : i64, scratch_operands = 5 : i64, tpu.core_type = #tpu.core_type<sc_vector_subcore>, window_params = [{transform_indices = #map}, {transform_indices = #map}, {transform_indices = #map}]} {
    %mul3A = arith.constant 2 : i32
    %mul3A_0 = arith.muli %arg1, %mul3A : i32
    %add3A = arith.addi %mul3A_0, %arg0 : i32
    %mul3A_1 = arith.constant 256 : i32
    %mul3A_2 = arith.muli %add3A, %mul3A_1 : i32
    %mul3A_3 = arith.constant 64 : i32
    %mul3A_4 = arith.muli %mul3A_2, %mul3A_3 : i32
    "tpu.region"() ({
      %run_scoped3A = tpu.sem_alloc : memref<!tpu.dma_semaphore, #tpu.memory_space<semaphore_mem>>
      %dma_start3A = tpu.memref_slice %arg2[%mul3A_4] : memref<524288xf32, #tpu.memory_space<hbm>> -> memref<16384xf32, #tpu.memory_space<hbm>>
      %dma_start3A_22 = tpu.memref_slice %arg2[%mul3A_4] : memref<524288xf32, #tpu.memory_space<hbm>> -> memref<16384xf32, #tpu.memory_space<hbm>>
      tpu.enqueue_dma source(%dma_start3A_22 : memref<16384xf32, #tpu.memory_space<hbm>>) target(%arg5 : memref<16384xf32, #tpu.memory_space<vmem>>) target_semaphore(%run_scoped3A : memref<!tpu.dma_semaphore, #tpu.memory_space<semaphore_mem>>)
      %dma_wait3A = tpu.memref_slice %arg2[%mul3A_4] : memref<524288xf32, #tpu.memory_space<hbm>> -> memref<16384xf32, #tpu.memory_space<hbm>>
      %dma_wait3A_23 = tpu.memref_slice %arg2[%mul3A_4] : memref<524288xf32, #tpu.memory_space<hbm>> -> memref<16384xf32, #tpu.memory_space<hbm>>
      tpu.wait_dma2 semaphore(%run_scoped3A : memref<!tpu.dma_semaphore, #tpu.memory_space<semaphore_mem>>) src(%dma_wait3A_23 : memref<16384xf32, #tpu.memory_space<hbm>>) dst(%arg5 : memref<16384xf32, #tpu.memory_space<vmem>>)
      tpu.yield
    }) : () -> ()
    %iota3A = tpu.iota {dimensions = array<i32: 0>} : vector<16xi32>
    %lt3A = arith.constant 8 : i32
    %lt3A_5 = vector.broadcast %lt3A : i32 to vector<16xi32>
    %lt3A_6 = arith.cmpi slt, %iota3A, %lt3A_5 : vector<16xi32>
    %scan3A = arith.constant 0 : i32
    %scan3A_7 = arith.constant 0 : i32
    %scan3A_8 = arith.constant 256 : i32
    %scan3A_9 = arith.addi %scan3A_7, %scan3A_8 : i32
    %scan3A_10 = arith.constant 1 : i32
    scf.for %scan3A_22 = %scan3A_7 to %scan3A_9 step %scan3A_10  : i32 {
      %mul3A_23 = arith.constant 64 : i32
      %mul3A_24 = arith.muli %scan3A_22, %mul3A_23 : i32
      %get3A = arith.index_cast %mul3A_24 : i32 to index
      %get3A_25 = tpu.vector_load %arg5[%get3A] {strides = array<i32>} : memref<16384xf32, #tpu.memory_space<vmem>>, vector<16xf32>,
      %add3A_26 = arith.constant 16 : i32
      %add3A_27 = arith.addi %mul3A_24, %add3A_26 : i32
      %get3A_28 = arith.index_cast %add3A_27 : i32 to index
      %get3A_29 = tpu.vector_load %arg5[%get3A_28] {strides = array<i32>} : memref<16384xf32, #tpu.memory_space<vmem>>, vector<16xf32>,
      %add3A_30 = arith.constant 32 : i32
      %add3A_31 = arith.addi %mul3A_24, %add3A_30 : i32
      %get3A_32 = arith.index_cast %add3A_31 : i32 to index
      %get3A_33 = tpu.vector_load %arg5[%get3A_32] {strides = array<i32>} : memref<16384xf32, #tpu.memory_space<vmem>>, vector<16xf32>,
      %add3A_34 = arith.constant 48 : i32
      %add3A_35 = arith.addi %mul3A_24, %add3A_34 : i32
      %get3A_36 = arith.index_cast %add3A_35 : i32 to index
      %get3A_37 = tpu.vector_load %arg5[%get3A_36] {strides = array<i32>} : memref<16384xf32, #tpu.memory_space<vmem>>, vector<16xf32>,
      %masked_sort3A = arith.constant dense<true> : vector<16xi1>
      %masked_sort3A_38, %masked_sort3A_39, %masked_sort3A_40 = tpu.sort %get3A_25, %iota3A masked %masked_sort3A {descending = true} : (vector<16xf32>, vector<16xi32>, vector<16xi1>) -> (vector<16xi1>, vector<16xf32>, vector<16xi32>)
      %add3A_41 = arith.constant 16 : i32
      %add3A_42 = vector.broadcast %add3A_41 : i32 to vector<16xi32>
      %add3A_43 = arith.addi %iota3A, %add3A_42 : vector<16xi32>
      %masked_sort3A_44 = arith.constant dense<true> : vector<16xi1>
      %masked_sort3A_45, %masked_sort3A_46, %masked_sort3A_47 = tpu.sort %get3A_29, %add3A_43 masked %masked_sort3A_44 {descending = true} : (vector<16xf32>, vector<16xi32>, vector<16xi1>) -> (vector<16xi1>, vector<16xf32>, vector<16xi32>)
      %add3A_48 = arith.constant 32 : i32
      %add3A_49 = vector.broadcast %add3A_48 : i32 to vector<16xi32>
      %add3A_50 = arith.addi %iota3A, %add3A_49 : vector<16xi32>
      %masked_sort3A_51 = arith.constant dense<true> : vector<16xi1>
      %masked_sort3A_52, %masked_sort3A_53, %masked_sort3A_54 = tpu.sort %get3A_33, %add3A_50 masked %masked_sort3A_51 {descending = true} : (vector<16xf32>, vector<16xi32>, vector<16xi1>) -> (vector<16xi1>, vector<16xf32>, vector<16xi32>)
      %add3A_55 = arith.constant 48 : i32
      %add3A_56 = vector.broadcast %add3A_55 : i32 to vector<16xi32>
      %add3A_57 = arith.addi %iota3A, %add3A_56 : vector<16xi32>
      %masked_sort3A_58 = arith.constant dense<true> : vector<16xi1>
      %masked_sort3A_59, %masked_sort3A_60, %masked_sort3A_61 = tpu.sort %get3A_37, %add3A_57 masked %masked_sort3A_58 {descending = true} : (vector<16xf32>, vector<16xi32>, vector<16xi1>) -> (vector<16xi1>, vector<16xf32>, vector<16xi32>)
      %rev3A = arith.constant 15 : i32
      %rev3A_62 = vector.broadcast %rev3A : i32 to vector<16xi32>
      %rev3A_63 = tpu.iota {dimensions = array<i32: 0>} : vector<16xi32>
      %rev3A_64 = arith.subi %rev3A_62, %rev3A_63 : vector<16xi32>
      %rev3A_65 = tpu.dynamic_gather %masked_sort3A_46[%rev3A_64] in [0] : vector<16xf32>, vector<16xi32> -> vector<16xf32>
      %rev3A_66 = arith.constant 15 : i32
      %rev3A_67 = vector.broadcast %rev3A_66 : i32 to vector<16xi32>
      %rev3A_68 = tpu.iota {dimensions = array<i32: 0>} : vector<16xi32>
      %rev3A_69 = arith.subi %rev3A_67, %rev3A_68 : vector<16xi32>
      %rev3A_70 = tpu.dynamic_gather %masked_sort3A_47[%rev3A_69] in [0] : vector<16xi32>, vector<16xi32> -> vector<16xi32>
      %ge3A = arith.cmpf oge, %masked_sort3A_39, %rev3A_65 : vector<16xf32>
      %select_n3A = arith.select %ge3A, %masked_sort3A_39, %rev3A_65 : vector<16xi1>, vector<16xf32>
      %select_n3A_71 = arith.select %ge3A, %masked_sort3A_40, %rev3A_70 : vector<16xi1>, vector<16xi32>
      %masked_sort3A_72 = arith.constant dense<true> : vector<16xi1>
      %masked_sort3A_73, %masked_sort3A_74, %masked_sort3A_75 = tpu.sort %select_n3A, %select_n3A_71 masked %masked_sort3A_72 {descending = true} : (vector<16xf32>, vector<16xi32>, vector<16xi1>) -> (vector<16xi1>, vector<16xf32>, vector<16xi32>)
      %rev3A_76 = arith.constant 15 : i32
      %rev3A_77 = vector.broadcast %rev3A_76 : i32 to vector<16xi32>
      %rev3A_78 = tpu.iota {dimensions = array<i32: 0>} : vector<16xi32>
      %rev3A_79 = arith.subi %rev3A_77, %rev3A_78 : vector<16xi32>
      %rev3A_80 = tpu.dynamic_gather %masked_sort3A_60[%rev3A_79] in [0] : vector<16xf32>, vector<16xi32> -> vector<16xf32>
      %rev3A_81 = arith.constant 15 : i32
      %rev3A_82 = vector.broadcast %rev3A_81 : i32 to vector<16xi32>
      %rev3A_83 = tpu.iota {dimensions = array<i32: 0>} : vector<16xi32>
      %rev3A_84 = arith.subi %rev3A_82, %rev3A_83 : vector<16xi32>
      %rev3A_85 = tpu.dynamic_gather %masked_sort3A_61[%rev3A_84] in [0] : vector<16xi32>, vector<16xi32> -> vector<16xi32>
      %ge3A_86 = arith.cmpf oge, %masked_sort3A_53, %rev3A_80 : vector<16xf32>
      %select_n3A_87 = arith.select %ge3A_86, %masked_sort3A_53, %rev3A_80 : vector<16xi1>, vector<16xf32>
      %select_n3A_88 = arith.select %ge3A_86, %masked_sort3A_54, %rev3A_85 : vector<16xi1>, vector<16xi32>
      %masked_sort3A_89 = arith.constant dense<true> : vector<16xi1>
      %masked_sort3A_90, %masked_sort3A_91, %masked_sort3A_92 = tpu.sort %select_n3A_87, %select_n3A_88 masked %masked_sort3A_89 {descending = true} : (vector<16xf32>, vector<16xi32>, vector<16xi1>) -> (vector<16xi1>, vector<16xf32>, vector<16xi32>)
      %rev3A_93 = arith.constant 15 : i32
      %rev3A_94 = vector.broadcast %rev3A_93 : i32 to vector<16xi32>
      %rev3A_95 = tpu.iota {dimensions = array<i32: 0>} : vector<16xi32>
      %rev3A_96 = arith.subi %rev3A_94, %rev3A_95 : vector<16xi32>
      %rev3A_97 = tpu.dynamic_gather %masked_sort3A_91[%rev3A_96] in [0] : vector<16xf32>, vector<16xi32> -> vector<16xf32>
      %rev3A_98 = arith.constant 15 : i32
      %rev3A_99 = vector.broadcast %rev3A_98 : i32 to vector<16xi32>
      %rev3A_100 = tpu.iota {dimensions = array<i32: 0>} : vector<16xi32>
      %rev3A_101 = arith.subi %rev3A_99, %rev3A_100 : vector<16xi32>
      %rev3A_102 = tpu.dynamic_gather %masked_sort3A_92[%rev3A_101] in [0] : vector<16xi32>, vector<16xi32> -> vector<16xi32>
      %ge3A_103 = arith.cmpf oge, %masked_sort3A_74, %rev3A_97 : vector<16xf32>
      %select_n3A_104 = arith.select %ge3A_103, %masked_sort3A_74, %rev3A_97 : vector<16xi1>, vector<16xf32>
      %select_n3A_105 = arith.select %ge3A_103, %masked_sort3A_75, %rev3A_102 : vector<16xi1>, vector<16xi32>
      %masked_sort3A_106 = arith.constant dense<true> : vector<16xi1>
      %masked_sort3A_107, %masked_sort3A_108, %masked_sort3A_109 = tpu.sort %select_n3A_104, %select_n3A_105 masked %masked_sort3A_106 {descending = true} : (vector<16xf32>, vector<16xi32>, vector<16xi1>) -> (vector<16xi1>, vector<16xf32>, vector<16xi32>)
      %reduce_max3A = arith.constant true
      %reduce_max3A_110 = vector.broadcast %reduce_max3A : i1 to vector<16xi1>
      %reduce_max3A_111 = tpu.scan <max>, %masked_sort3A_108 masked %reduce_max3A_110 : vector<16xf32>, vector<16xi1> -> vector<16xf32>
      %reduce_max3A_112 = vector.extract %reduce_max3A_111[15] : f32 from vector<16xf32>
      %sub3A = vector.broadcast %reduce_max3A_112 : f32 to vector<16xf32>
      %sub3A_113 = arith.subf %masked_sort3A_108, %sub3A : vector<16xf32>
      %exp3A = math.exp %sub3A_113 : vector<16xf32>
      %jit3A = arith.constant 0.000000e+00 : f32
      %broadcast_in_dim3A = vector.broadcast %jit3A : f32 to vector<16xf32>
      %select_n3A_114 = arith.select %lt3A_6, %exp3A, %broadcast_in_dim3A : vector<16xi1>, vector<16xf32>
      %reduce_sum3A = arith.constant true
      %reduce_sum3A_115 = vector.broadcast %reduce_sum3A : i1 to vector<16xi1>
      %reduce_sum3A_116 = tpu.scan <sum>, %select_n3A_114 masked %reduce_sum3A_115 : vector<16xf32>, vector<16xi1> -> vector<16xf32>
      %reduce_sum3A_117 = vector.extract %reduce_sum3A_116[15] : f32 from vector<16xf32>
      %div3A = vector.broadcast %reduce_sum3A_117 : f32 to vector<16xf32>
      %div3A_118 = arith.divf %select_n3A_114, %div3A : vector<16xf32>
      %mul3A_119 = arith.constant 16 : i32
      %mul3A_120 = arith.muli %scan3A_22, %mul3A_119 : i32
      %swap3A = arith.index_cast %mul3A_120 : i32 to index
      %swap3A_121 = tpu.vector_load %arg6[%swap3A] {strides = array<i32>} : memref<4096xf32, #tpu.memory_space<vmem>>, vector<16xf32>,
      tpu.vector_store %arg6[%swap3A], %div3A_118 {strides = array<i32>} : memref<4096xf32, #tpu.memory_space<vmem>>, vector<16xf32>,
      %mul3A_122 = arith.constant 16 : i32
      %mul3A_123 = arith.muli %scan3A_22, %mul3A_122 : i32
      %swap3A_124 = arith.index_cast %mul3A_123 : i32 to index
      %swap3A_125 = tpu.vector_load %arg7[%swap3A_124] {strides = array<i32>} : memref<4096xi32, #tpu.memory_space<vmem>>, vector<16xi32>,
      tpu.vector_store %arg7[%swap3A_124], %masked_sort3A_109 {strides = array<i32>} : memref<4096xi32, #tpu.memory_space<vmem>>, vector<16xi32>,
    }
    %scan3A_11 = arith.constant 256 : i32
    %scan3A_12 = arith.constant 0 : i32
    %scan3A_13 = arith.constant 0 : i32
    %scan3A_14 = arith.constant 128 : i32
    %scan3A_15 = arith.addi %scan3A_13, %scan3A_14 : i32
    %scan3A_16 = arith.constant 1 : i32
    scf.for %scan3A_22 = %scan3A_13 to %scan3A_15 step %scan3A_16  : i32 {
      %mul3A_23 = arith.constant 32 : i32
      %mul3A_24 = arith.muli %scan3A_22, %mul3A_23 : i32
      %add3A_25 = vector.broadcast %mul3A_24 : i32 to vector<16xi32>
      %add3A_26 = arith.addi %add3A_25, %iota3A : vector<16xi32>
      %jit3A = arith.constant 0 : i32
      %jit3A_27 = arith.constant 8 : i32
      %broadcast_in_dim3A = vector.broadcast %jit3A : i32 to vector<16xi32>
      %broadcast_in_dim3A_28 = vector.broadcast %jit3A_27 : i32 to vector<16xi32>
      %select_n3A = arith.select %lt3A_6, %broadcast_in_dim3A, %broadcast_in_dim3A_28 : vector<16xi1>, vector<16xi32>
      %add3A_29 = arith.addi %add3A_26, %select_n3A : vector<16xi32>
      %gather3A = tpu.vector_load_idx %arg6[%add3A_29] : memref<4096xf32, #tpu.memory_space<vmem>>[vector<16xi32>], vector<16xf32>,
      %mul3A_30 = arith.constant 16 : i32
      %mul3A_31 = arith.muli %scan3A_22, %mul3A_30 : i32
      %swap3A = arith.index_cast %mul3A_31 : i32 to index
      %swap3A_32 = tpu.vector_load %arg8[%swap3A] {strides = array<i32>} : memref<2048xf32, #tpu.memory_space<vmem>>, vector<16xf32>,
      tpu.vector_store %arg8[%swap3A], %gather3A {strides = array<i32>} : memref<2048xf32, #tpu.memory_space<vmem>>, vector<16xf32>,
      %gather3A_33 = tpu.vector_load_idx %arg7[%add3A_29] : memref<4096xi32, #tpu.memory_space<vmem>>[vector<16xi32>], vector<16xi32>,
      %mul3A_34 = arith.constant 16 : i32
      %mul3A_35 = arith.muli %scan3A_22, %mul3A_34 : i32
      %swap3A_36 = arith.index_cast %mul3A_35 : i32 to index
      %swap3A_37 = tpu.vector_load %arg9[%swap3A_36] {strides = array<i32>} : memref<2048xi32, #tpu.memory_space<vmem>>, vector<16xi32>,
      tpu.vector_store %arg9[%swap3A_36], %gather3A_33 {strides = array<i32>} : memref<2048xi32, #tpu.memory_space<vmem>>, vector<16xi32>,
    }
    %scan3A_17 = arith.constant 128 : i32
    %mul3A_18 = arith.constant 8 : i32
    %mul3A_19 = arith.muli %mul3A_2, %mul3A_18 : i32
    "tpu.region"() ({
      %run_scoped3A = tpu.sem_alloc : memref<!tpu.dma_semaphore, #tpu.memory_space<semaphore_mem>>
      %dma_start3A = tpu.memref_slice %arg3[%mul3A_19] : memref<65536xf32, #tpu.memory_space<hbm>> -> memref<2048xf32, #tpu.memory_space<hbm>>
      %dma_start3A_22 = tpu.memref_slice %arg3[%mul3A_19] : memref<65536xf32, #tpu.memory_space<hbm>> -> memref<2048xf32, #tpu.memory_space<hbm>>
      tpu.enqueue_dma source(%arg8 : memref<2048xf32, #tpu.memory_space<vmem>>) target(%dma_start3A_22 : memref<2048xf32, #tpu.memory_space<hbm>>) target_semaphore(%run_scoped3A : memref<!tpu.dma_semaphore, #tpu.memory_space<semaphore_mem>>)
      %dma_wait3A = tpu.memref_slice %arg3[%mul3A_19] : memref<65536xf32, #tpu.memory_space<hbm>> -> memref<2048xf32, #tpu.memory_space<hbm>>
      %dma_wait3A_23 = tpu.memref_slice %arg3[%mul3A_19] : memref<65536xf32, #tpu.memory_space<hbm>> -> memref<2048xf32, #tpu.memory_space<hbm>>
      tpu.wait_dma2 semaphore(%run_scoped3A : memref<!tpu.dma_semaphore, #tpu.memory_space<semaphore_mem>>) src(%arg8 : memref<2048xf32, #tpu.memory_space<vmem>>) dst(%dma_wait3A_23 : memref<2048xf32, #tpu.memory_space<hbm>>)
      tpu.yield
    }) : () -> ()
    %mul3A_20 = arith.constant 8 : i32
    %mul3A_21 = arith.muli %mul3A_2, %mul3A_20 : i32
    "tpu.region"() ({
      %run_scoped3A = tpu.sem_alloc : memref<!tpu.dma_semaphore, #tpu.memory_space<semaphore_mem>>
      %dma_start3A = tpu.memref_slice %arg4[%mul3A_21] : memref<65536xi32, #tpu.memory_space<hbm>> -> memref<2048xi32, #tpu.memory_space<hbm>>
      %dma_start3A_22 = tpu.memref_slice %arg4[%mul3A_21] : memref<65536xi32, #tpu.memory_space<hbm>> -> memref<2048xi32, #tpu.memory_space<hbm>>
      tpu.enqueue_dma source(%arg9 : memref<2048xi32, #tpu.memory_space<vmem>>) target(%dma_start3A_22 : memref<2048xi32, #tpu.memory_space<hbm>>) target_semaphore(%run_scoped3A : memref<!tpu.dma_semaphore, #tpu.memory_space<semaphore_mem>>)
      %dma_wait3A = tpu.memref_slice %arg4[%mul3A_21] : memref<65536xi32, #tpu.memory_space<hbm>> -> memref<2048xi32, #tpu.memory_space<hbm>>
      %dma_wait3A_23 = tpu.memref_slice %arg4[%mul3A_21] : memref<65536xi32, #tpu.memory_space<hbm>> -> memref<2048xi32, #tpu.memory_space<hbm>>
      tpu.wait_dma2 semaphore(%run_scoped3A : memref<!tpu.dma_semaphore, #tpu.memory_space<semaphore_mem>>) src(%arg9 : memref<2048xi32, #tpu.memory_space<vmem>>) dst(%dma_wait3A_23 : memref<2048xi32, #tpu.memory_space<hbm>>)
      tpu.yield
    }) : () -> ()
    return
  }
}

#map = affine_map<(d0, d1) -> (0)>
module attributes {stable_mosaic.version = 14 : i64} {
  func.func @k(%arg0: i32, %arg1: i32, %arg2: memref<524288xf32, #tpu.memory_space<hbm>>, %arg3: memref<65536xf32, #tpu.memory_space<hbm>>, %arg4: memref<65536xi32, #tpu.memory_space<hbm>>, %arg5: memref<16384xf32, #tpu.memory_space<vmem>>, %arg6: memref<4096xf32, #tpu.memory_space<vmem>>, %arg7: memref<4096xi32, #tpu.memory_space<vmem>>, %arg8: memref<2048xf32, #tpu.memory_space<vmem>>, %arg9: memref<2048xi32, #tpu.memory_space<vmem>>) attributes {dimension_semantics = [#tpu.dimension_semantics<core_parallel>, #tpu.dimension_semantics<subcore_parallel>], iteration_bounds = array<i64: 2, 16>, scalar_prefetch = 0 : i64, scratch_operands = 5 : i64, tpu.core_type = #tpu.core_type<sc_vector_subcore>, window_params = [{transform_indices = #map}, {transform_indices = #map}, {transform_indices = #map}]} {
    %mul3A = arith.constant 2 : i32
    %mul3A_0 = arith.muli %arg1, %mul3A : i32
    %add3A = arith.addi %mul3A_0, %arg0 : i32
    %mul3A_1 = arith.constant 256 : i32
    %mul3A_2 = arith.muli %add3A, %mul3A_1 : i32
    %mul3A_3 = arith.constant 64 : i32
    %mul3A_4 = arith.muli %mul3A_2, %mul3A_3 : i32
    "tpu.region"() ({
      %run_scoped3A = tpu.sem_alloc : memref<!tpu.dma_semaphore, #tpu.memory_space<semaphore_mem>>
      %dma_start3A = tpu.memref_slice %arg2[%mul3A_4] : memref<524288xf32, #tpu.memory_space<hbm>> -> memref<16384xf32, #tpu.memory_space<hbm>>
      %dma_start3A_22 = tpu.memref_slice %arg2[%mul3A_4] : memref<524288xf32, #tpu.memory_space<hbm>> -> memref<16384xf32, #tpu.memory_space<hbm>>
      tpu.enqueue_dma source(%dma_start3A_22 : memref<16384xf32, #tpu.memory_space<hbm>>) target(%arg5 : memref<16384xf32, #tpu.memory_space<vmem>>) target_semaphore(%run_scoped3A : memref<!tpu.dma_semaphore, #tpu.memory_space<semaphore_mem>>)
      %dma_wait3A = tpu.memref_slice %arg2[%mul3A_4] : memref<524288xf32, #tpu.memory_space<hbm>> -> memref<16384xf32, #tpu.memory_space<hbm>>
      %dma_wait3A_23 = tpu.memref_slice %arg2[%mul3A_4] : memref<524288xf32, #tpu.memory_space<hbm>> -> memref<16384xf32, #tpu.memory_space<hbm>>
      tpu.wait_dma2 semaphore(%run_scoped3A : memref<!tpu.dma_semaphore, #tpu.memory_space<semaphore_mem>>) src(%dma_wait3A_23 : memref<16384xf32, #tpu.memory_space<hbm>>) dst(%arg5 : memref<16384xf32, #tpu.memory_space<vmem>>)
      tpu.yield
    }) : () -> ()
    %iota3A = tpu.iota {dimensions = array<i32: 0>} : vector<16xi32>
    %lt3A = arith.constant 8 : i32
    %lt3A_5 = vector.broadcast %lt3A : i32 to vector<16xi32>
    %lt3A_6 = arith.cmpi slt, %iota3A, %lt3A_5 : vector<16xi32>
    %scan3A = arith.constant 0 : i32
    %scan3A_7 = arith.constant 0 : i32
    %scan3A_8 = arith.constant 256 : i32
    %scan3A_9 = arith.addi %scan3A_7, %scan3A_8 : i32
    %scan3A_10 = arith.constant 1 : i32
    scf.for %scan3A_22 = %scan3A_7 to %scan3A_9 step %scan3A_10  : i32 {
      %mul3A_23 = arith.constant 64 : i32
      %mul3A_24 = arith.muli %scan3A_22, %mul3A_23 : i32
      %get3A = arith.index_cast %mul3A_24 : i32 to index
      %get3A_25 = tpu.vector_load %arg5[%get3A] {strides = array<i32>} : memref<16384xf32, #tpu.memory_space<vmem>>, vector<16xf32>,
      %add3A_26 = arith.constant 16 : i32
      %add3A_27 = arith.addi %mul3A_24, %add3A_26 : i32
      %get3A_28 = arith.index_cast %add3A_27 : i32 to index
      %get3A_29 = tpu.vector_load %arg5[%get3A_28] {strides = array<i32>} : memref<16384xf32, #tpu.memory_space<vmem>>, vector<16xf32>,
      %add3A_30 = arith.constant 32 : i32
      %add3A_31 = arith.addi %mul3A_24, %add3A_30 : i32
      %get3A_32 = arith.index_cast %add3A_31 : i32 to index
      %get3A_33 = tpu.vector_load %arg5[%get3A_32] {strides = array<i32>} : memref<16384xf32, #tpu.memory_space<vmem>>, vector<16xf32>,
      %add3A_34 = arith.constant 48 : i32
      %add3A_35 = arith.addi %mul3A_24, %add3A_34 : i32
      %get3A_36 = arith.index_cast %add3A_35 : i32 to index
      %get3A_37 = tpu.vector_load %arg5[%get3A_36] {strides = array<i32>} : memref<16384xf32, #tpu.memory_space<vmem>>, vector<16xf32>,
      %masked_sort3A = arith.constant dense<true> : vector<16xi1>
      %masked_sort3A_38, %masked_sort3A_39, %masked_sort3A_40 = tpu.sort %get3A_25, %iota3A masked %masked_sort3A {descending = true} : (vector<16xf32>, vector<16xi32>, vector<16xi1>) -> (vector<16xi1>, vector<16xf32>, vector<16xi32>)
      %add3A_41 = arith.constant 16 : i32
      %add3A_42 = vector.broadcast %add3A_41 : i32 to vector<16xi32>
      %add3A_43 = arith.addi %iota3A, %add3A_42 : vector<16xi32>
      %masked_sort3A_44 = arith.constant dense<true> : vector<16xi1>
      %masked_sort3A_45, %masked_sort3A_46, %masked_sort3A_47 = tpu.sort %get3A_29, %add3A_43 masked %masked_sort3A_44 {descending = true} : (vector<16xf32>, vector<16xi32>, vector<16xi1>) -> (vector<16xi1>, vector<16xf32>, vector<16xi32>)
      %add3A_48 = arith.constant 32 : i32
      %add3A_49 = vector.broadcast %add3A_48 : i32 to vector<16xi32>
      %add3A_50 = arith.addi %iota3A, %add3A_49 : vector<16xi32>
      %masked_sort3A_51 = arith.constant dense<true> : vector<16xi1>
      %masked_sort3A_52, %masked_sort3A_53, %masked_sort3A_54 = tpu.sort %get3A_33, %add3A_50 masked %masked_sort3A_51 {descending = true} : (vector<16xf32>, vector<16xi32>, vector<16xi1>) -> (vector<16xi1>, vector<16xf32>, vector<16xi32>)
      %add3A_55 = arith.constant 48 : i32
      %add3A_56 = vector.broadcast %add3A_55 : i32 to vector<16xi32>
      %add3A_57 = arith.addi %iota3A, %add3A_56 : vector<16xi32>
      %masked_sort3A_58 = arith.constant dense<true> : vector<16xi1>
      %masked_sort3A_59, %masked_sort3A_60, %masked_sort3A_61 = tpu.sort %get3A_37, %add3A_57 masked %masked_sort3A_58 {descending = true} : (vector<16xf32>, vector<16xi32>, vector<16xi1>) -> (vector<16xi1>, vector<16xf32>, vector<16xi32>)
      %rev3A = arith.constant 15 : i32
      %rev3A_62 = vector.broadcast %rev3A : i32 to vector<16xi32>
      %rev3A_63 = tpu.iota {dimensions = array<i32: 0>} : vector<16xi32>
      %rev3A_64 = arith.subi %rev3A_62, %rev3A_63 : vector<16xi32>
      %rev3A_65 = tpu.dynamic_gather %masked_sort3A_46[%rev3A_64] in [0] : vector<16xf32>, vector<16xi32> -> vector<16xf32>
      %rev3A_66 = arith.constant 15 : i32
      %rev3A_67 = vector.broadcast %rev3A_66 : i32 to vector<16xi32>
      %rev3A_68 = tpu.iota {dimensions = array<i32: 0>} : vector<16xi32>
      %rev3A_69 = arith.subi %rev3A_67, %rev3A_68 : vector<16xi32>
      %rev3A_70 = tpu.dynamic_gather %masked_sort3A_47[%rev3A_69] in [0] : vector<16xi32>, vector<16xi32> -> vector<16xi32>
      %ge3A = arith.cmpf oge, %masked_sort3A_39, %rev3A_65 : vector<16xf32>
      %select_n3A = arith.select %ge3A, %masked_sort3A_39, %rev3A_65 : vector<16xi1>, vector<16xf32>
      %select_n3A_71 = arith.select %ge3A, %masked_sort3A_40, %rev3A_70 : vector<16xi1>, vector<16xi32>
      %masked_sort3A_72 = arith.constant dense<true> : vector<16xi1>
      %masked_sort3A_73, %masked_sort3A_74, %masked_sort3A_75 = tpu.sort %select_n3A, %select_n3A_71 masked %masked_sort3A_72 {descending = true} : (vector<16xf32>, vector<16xi32>, vector<16xi1>) -> (vector<16xi1>, vector<16xf32>, vector<16xi32>)
      %rev3A_76 = arith.constant 15 : i32
      %rev3A_77 = vector.broadcast %rev3A_76 : i32 to vector<16xi32>
      %rev3A_78 = tpu.iota {dimensions = array<i32: 0>} : vector<16xi32>
      %rev3A_79 = arith.subi %rev3A_77, %rev3A_78 : vector<16xi32>
      %rev3A_80 = tpu.dynamic_gather %masked_sort3A_60[%rev3A_79] in [0] : vector<16xf32>, vector<16xi32> -> vector<16xf32>
      %rev3A_81 = arith.constant 15 : i32
      %rev3A_82 = vector.broadcast %rev3A_81 : i32 to vector<16xi32>
      %rev3A_83 = tpu.iota {dimensions = array<i32: 0>} : vector<16xi32>
      %rev3A_84 = arith.subi %rev3A_82, %rev3A_83 : vector<16xi32>
      %rev3A_85 = tpu.dynamic_gather %masked_sort3A_61[%rev3A_84] in [0] : vector<16xi32>, vector<16xi32> -> vector<16xi32>
      %ge3A_86 = arith.cmpf oge, %masked_sort3A_53, %rev3A_80 : vector<16xf32>
      %select_n3A_87 = arith.select %ge3A_86, %masked_sort3A_53, %rev3A_80 : vector<16xi1>, vector<16xf32>
      %select_n3A_88 = arith.select %ge3A_86, %masked_sort3A_54, %rev3A_85 : vector<16xi1>, vector<16xi32>
      %masked_sort3A_89 = arith.constant dense<true> : vector<16xi1>
      %masked_sort3A_90, %masked_sort3A_91, %masked_sort3A_92 = tpu.sort %select_n3A_87, %select_n3A_88 masked %masked_sort3A_89 {descending = true} : (vector<16xf32>, vector<16xi32>, vector<16xi1>) -> (vector<16xi1>, vector<16xf32>, vector<16xi32>)
      %rev3A_93 = arith.constant 15 : i32
      %rev3A_94 = vector.broadcast %rev3A_93 : i32 to vector<16xi32>
      %rev3A_95 = tpu.iota {dimensions = array<i32: 0>} : vector<16xi32>
      %rev3A_96 = arith.subi %rev3A_94, %rev3A_95 : vector<16xi32>
      %rev3A_97 = tpu.dynamic_gather %masked_sort3A_91[%rev3A_96] in [0] : vector<16xf32>, vector<16xi32> -> vector<16xf32>
      %rev3A_98 = arith.constant 15 : i32
      %rev3A_99 = vector.broadcast %rev3A_98 : i32 to vector<16xi32>
      %rev3A_100 = tpu.iota {dimensions = array<i32: 0>} : vector<16xi32>
      %rev3A_101 = arith.subi %rev3A_99, %rev3A_100 : vector<16xi32>
      %rev3A_102 = tpu.dynamic_gather %masked_sort3A_92[%rev3A_101] in [0] : vector<16xi32>, vector<16xi32> -> vector<16xi32>
      %ge3A_103 = arith.cmpf oge, %masked_sort3A_74, %rev3A_97 : vector<16xf32>
      %select_n3A_104 = arith.select %ge3A_103, %masked_sort3A_74, %rev3A_97 : vector<16xi1>, vector<16xf32>
      %select_n3A_105 = arith.select %ge3A_103, %masked_sort3A_75, %rev3A_102 : vector<16xi1>, vector<16xi32>
      %masked_sort3A_106 = arith.constant dense<true> : vector<16xi1>
      %masked_sort3A_107, %masked_sort3A_108, %masked_sort3A_109 = tpu.sort %select_n3A_104, %select_n3A_105 masked %masked_sort3A_106 {descending = true} : (vector<16xf32>, vector<16xi32>, vector<16xi1>) -> (vector<16xi1>, vector<16xf32>, vector<16xi32>)
      %reduce_max3A = arith.constant true
      %reduce_max3A_110 = vector.broadcast %reduce_max3A : i1 to vector<16xi1>
      %reduce_max3A_111 = tpu.scan <max>, %masked_sort3A_108 masked %reduce_max3A_110 : vector<16xf32>, vector<16xi1> -> vector<16xf32>
      %reduce_max3A_112 = vector.extract %reduce_max3A_111[15] : f32 from vector<16xf32>
      %sub3A = vector.broadcast %reduce_max3A_112 : f32 to vector<16xf32>
      %sub3A_113 = arith.subf %masked_sort3A_108, %sub3A : vector<16xf32>
      %exp3A = math.exp %sub3A_113 : vector<16xf32>
      %jit3A = arith.constant 0.000000e+00 : f32
      %broadcast_in_dim3A = vector.broadcast %jit3A : f32 to vector<16xf32>
      %select_n3A_114 = arith.select %lt3A_6, %exp3A, %broadcast_in_dim3A : vector<16xi1>, vector<16xf32>
      %reduce_sum3A = arith.constant true
      %reduce_sum3A_115 = vector.broadcast %reduce_sum3A : i1 to vector<16xi1>
      %reduce_sum3A_116 = tpu.scan <sum>, %select_n3A_114 masked %reduce_sum3A_115 : vector<16xf32>, vector<16xi1> -> vector<16xf32>
      %reduce_sum3A_117 = vector.extract %reduce_sum3A_116[15] : f32 from vector<16xf32>
      %div3A = vector.broadcast %reduce_sum3A_117 : f32 to vector<16xf32>
      %div3A_118 = arith.divf %select_n3A_114, %div3A : vector<16xf32>
      %mul3A_119 = arith.constant 16 : i32
      %mul3A_120 = arith.muli %scan3A_22, %mul3A_119 : i32
      %swap3A = arith.index_cast %mul3A_120 : i32 to index
      %swap3A_121 = tpu.vector_load %arg6[%swap3A] {strides = array<i32>} : memref<4096xf32, #tpu.memory_space<vmem>>, vector<16xf32>,
      tpu.vector_store %arg6[%swap3A], %div3A_118 {strides = array<i32>} : memref<4096xf32, #tpu.memory_space<vmem>>, vector<16xf32>,
      %mul3A_122 = arith.constant 16 : i32
      %mul3A_123 = arith.muli %scan3A_22, %mul3A_122 : i32
      %swap3A_124 = arith.index_cast %mul3A_123 : i32 to index
      %swap3A_125 = tpu.vector_load %arg7[%swap3A_124] {strides = array<i32>} : memref<4096xi32, #tpu.memory_space<vmem>>, vector<16xi32>,
      tpu.vector_store %arg7[%swap3A_124], %masked_sort3A_109 {strides = array<i32>} : memref<4096xi32, #tpu.memory_space<vmem>>, vector<16xi32>,
    }
    %scan3A_11 = arith.constant 256 : i32
    %scan3A_12 = arith.constant 0 : i32
    %scan3A_13 = arith.constant 0 : i32
    %scan3A_14 = arith.constant 128 : i32
    %scan3A_15 = arith.addi %scan3A_13, %scan3A_14 : i32
    %scan3A_16 = arith.constant 1 : i32
    scf.for %scan3A_22 = %scan3A_13 to %scan3A_15 step %scan3A_16  : i32 {
      %mul3A_23 = arith.constant 32 : i32
      %mul3A_24 = arith.muli %scan3A_22, %mul3A_23 : i32
      %add3A_25 = vector.broadcast %mul3A_24 : i32 to vector<16xi32>
      %add3A_26 = arith.addi %add3A_25, %iota3A : vector<16xi32>
      %jit3A = arith.constant 0 : i32
      %jit3A_27 = arith.constant 8 : i32
      %broadcast_in_dim3A = vector.broadcast %jit3A : i32 to vector<16xi32>
      %broadcast_in_dim3A_28 = vector.broadcast %jit3A_27 : i32 to vector<16xi32>
      %select_n3A = arith.select %lt3A_6, %broadcast_in_dim3A, %broadcast_in_dim3A_28 : vector<16xi1>, vector<16xi32>
      %add3A_29 = arith.addi %add3A_26, %select_n3A : vector<16xi32>
      %gather3A = tpu.vector_load_idx %arg6[%add3A_29] : memref<4096xf32, #tpu.memory_space<vmem>>[vector<16xi32>], vector<16xf32>,
      %mul3A_30 = arith.constant 16 : i32
      %mul3A_31 = arith.muli %scan3A_22, %mul3A_30 : i32
      %swap3A = arith.index_cast %mul3A_31 : i32 to index
      %swap3A_32 = tpu.vector_load %arg8[%swap3A] {strides = array<i32>} : memref<2048xf32, #tpu.memory_space<vmem>>, vector<16xf32>,
      tpu.vector_store %arg8[%swap3A], %gather3A {strides = array<i32>} : memref<2048xf32, #tpu.memory_space<vmem>>, vector<16xf32>,
      %gather3A_33 = tpu.vector_load_idx %arg7[%add3A_29] : memref<4096xi32, #tpu.memory_space<vmem>>[vector<16xi32>], vector<16xi32>,
      %mul3A_34 = arith.constant 16 : i32
      %mul3A_35 = arith.muli %scan3A_22, %mul3A_34 : i32
      %swap3A_36 = arith.index_cast %mul3A_35 : i32 to index
      %swap3A_37 = tpu.vector_load %arg9[%swap3A_36] {strides = array<i32>} : memref<2048xi32, #tpu.memory_space<vmem>>, vector<16xi32>,
      tpu.vector_store %arg9[%swap3A_36], %gather3A_33 {strides = array<i32>} : memref<2048xi32, #tpu.memory_space<vmem>>, vector<16xi32>,
    }
    %scan3A_17 = arith.constant 128 : i32
    %mul3A_18 = arith.constant 8 : i32
    %mul3A_19 = arith.muli %mul3A_2, %mul3A_18 : i32
    "tpu.region"() ({
      %run_scoped3A = tpu.sem_alloc : memref<!tpu.dma_semaphore, #tpu.memory_space<semaphore_mem>>
      %dma_start3A = tpu.memref_slice %arg3[%mul3A_19] : memref<65536xf32, #tpu.memory_space<hbm>> -> memref<2048xf32, #tpu.memory_space<hbm>>
      %dma_start3A_22 = tpu.memref_slice %arg3[%mul3A_19] : memref<65536xf32, #tpu.memory_space<hbm>> -> memref<2048xf32, #tpu.memory_space<hbm>>
      tpu.enqueue_dma source(%arg8 : memref<2048xf32, #tpu.memory_space<vmem>>) target(%dma_start3A_22 : memref<2048xf32, #tpu.memory_space<hbm>>) target_semaphore(%run_scoped3A : memref<!tpu.dma_semaphore, #tpu.memory_space<semaphore_mem>>)
      %dma_wait3A = tpu.memref_slice %arg3[%mul3A_19] : memref<65536xf32, #tpu.memory_space<hbm>> -> memref<2048xf32, #tpu.memory_space<hbm>>
      %dma_wait3A_23 = tpu.memref_slice %arg3[%mul3A_19] : memref<65536xf32, #tpu.memory_space<hbm>> -> memref<2048xf32, #tpu.memory_space<hbm>>
      tpu.wait_dma2 semaphore(%run_scoped3A : memref<!tpu.dma_semaphore, #tpu.memory_space<semaphore_mem>>) src(%arg8 : memref<2048xf32, #tpu.memory_space<vmem>>) dst(%dma_wait3A_23 : memref<2048xf32, #tpu.memory_space<hbm>>)
      tpu.yield
    }) : () -> ()
    %mul3A_20 = arith.constant 8 : i32
    %mul3A_21 = arith.muli %mul3A_2, %mul3A_20 : i32
    "tpu.region"() ({
      %run_scoped3A = tpu.sem_alloc : memref<!tpu.dma_semaphore, #tpu.memory_space<semaphore_mem>>
      %dma_start3A = tpu.memref_slice %arg4[%mul3A_21] : memref<65536xi32, #tpu.memory_space<hbm>> -> memref<2048xi32, #tpu.memory_space<hbm>>
      %dma_start3A_22 = tpu.memref_slice %arg4[%mul3A_21] : memref<65536xi32, #tpu.memory_space<hbm>> -> memref<2048xi32, #tpu.memory_space<hbm>>
      tpu.enqueue_dma source(%arg9 : memref<2048xi32, #tpu.memory_space<vmem>>) target(%dma_start3A_22 : memref<2048xi32, #tpu.memory_space<hbm>>) target_semaphore(%run_scoped3A : memref<!tpu.dma_semaphore, #tpu.memory_space<semaphore_mem>>)
      %dma_wait3A = tpu.memref_slice %arg4[%mul3A_21] : memref<65536xi32, #tpu.memory_space<hbm>> -> memref<2048xi32, #tpu.memory_space<hbm>>
      %dma_wait3A_23 = tpu.memref_slice %arg4[%mul3A_21] : memref<65536xi32, #tpu.memory_space<hbm>> -> memref<2048xi32, #tpu.memory_space<hbm>>
      tpu.wait_dma2 semaphore(%run_scoped3A : memref<!tpu.dma_semaphore, #tpu.memory_space<semaphore_mem>>) src(%arg9 : memref<2048xi32, #tpu.memory_space<vmem>>) dst(%dma_wait3A_23 : memref<2048xi32, #tpu.memory_space<hbm>>)
      tpu.yield
    }) : () -> ()
    return
  }
}

module attributes {stable_mosaic.version = 14 : i64} {
  func.func @_matmul_kernel(%arg0: i32, %arg1: memref<1024x4096xf32, #tpu.memory_space<vmem>>, %arg2: memref<64x4096xf32, #tpu.memory_space<vmem>>, %arg3: memref<1024x64xf32, #tpu.memory_space<vmem>>) attributes {dimension_semantics = [#tpu.dimension_semantics<parallel>], iteration_bounds = array<i64: 8>, scalar_prefetch = 0 : i64, scratch_operands = 0 : i64, tpu.core_type = #tpu.core_type<tc>, window_params = [{transform_indices = @transform_0, window_bounds = array<i64: 1024, 4096>}, {pipeline_mode = #tpu.pipeline_mode<synchronous>, transform_indices = @transform_1, window_bounds = array<i64: 64, 4096>}, {transform_indices = @transform_2, window_bounds = array<i64: 1024, 64>}]} {
    %get3A = arith.constant 0 : index
    %get3A_0 = arith.constant 0 : index
    %get3A_1 = vector.load %arg1[%get3A, %get3A_0] : memref<1024x4096xf32, #tpu.memory_space<vmem>>, vector<1024x4096xf32>
    %get3A_2 = arith.constant 0 : index
    %get3A_3 = arith.constant 0 : index
    %get3A_4 = vector.load %arg2[%get3A_2, %get3A_3] : memref<64x4096xf32, #tpu.memory_space<vmem>>, vector<64x4096xf32>
    %dot_general3A = arith.constant dense<0.000000e+00> : vector<1024x64xf32>
    %dot_general3A_5 = tpu.matmul %get3A_1, %get3A_4, %dot_general3A {dimension_numbers = #tpu.dot_dimension_numbers<[1], [1], [0], [0], [0, 0, 1, 0], [], []>, transpose_lhs_hint = false} : vector<1024x4096xf32>, vector<64x4096xf32>, vector<1024x64xf32> -> vector<1024x64xf32>
    %swap3A = arith.constant 0 : index
    %swap3A_6 = arith.constant 0 : index
    %swap3A_7 = vector.load %arg3[%swap3A, %swap3A_6] : memref<1024x64xf32, #tpu.memory_space<vmem>>, vector<1024x64xf32>
    tpu.vector_store %arg3[%swap3A, %swap3A_6], %dot_general3A_5 {strides = array<i32>} : memref<1024x64xf32, #tpu.memory_space<vmem>>, vector<1024x64xf32>,
    return
  }
  func.func @transform_0(%arg0: i32) -> (i32, i32) {
    %c0_i32 = arith.constant 0 : i32
    %c0_i32_0 = arith.constant 0 : i32
    return %arg0, %c0_i32 : i32, i32
  }
  func.func @transform_1(%arg0: i32) -> (i32, i32) {
    %c0_i32 = arith.constant 0 : i32
    %c0_i32_0 = arith.constant 0 : i32
    %c0_i32_1 = arith.constant 0 : i32
    return %c0_i32, %c0_i32_0 : i32, i32
  }
  func.func @transform_2(%arg0: i32) -> (i32, i32) {
    %c0_i32 = arith.constant 0 : i32
    %c0_i32_0 = arith.constant 0 : i32
    return %arg0, %c0_i32 : i32, i32
  }
}

</mosaic_0001>

<sc_bundles>
// kernel: kernel.10.cloned.1.call-start
scs
__scs_entry_jumppad:
0x0: {  	(pc) =	sbr.rel $0x88, $3  }
0x1: {  	(tag) =	ssettag $0x0;
	lr =	simm.s32 $0x1  }
0x2: {  	[smem:$0x3F9F] =	sst lr;
	_ =	strace $0xD0000000  }
0x3: {  	_ = 	snop  }
0x4: {  	_ = 	snop  }
0x5: {  	_ = 	snop  }
0x6: {  	_ = 	snop  }
0x7: {  	_ = 	snop  }
__scs_overlays_trampoline_lowered:
0x8: {  	[smem:$0x3FAE] =	sst s0  }
0x9: {  	[smem:$0x3FAF] =	sst s1  }
0xa: {  	[smem:$0x3FB0] =	sst s2  }
0xb: {  	[smem:$0x3FB1] =	sst s3  }
0xc: {  	[smem:$0x3FB2] =	sst s4  }
0xd: {  	[smem:$0x3FB3] =	sst s5  }
0xe: {  	[smem:$0x3FB4] =	sst s6  }
0xf: {  	[smem:$0x3FB5] =	sst s7  }
0x10: {  	[smem:$0x3FB6] =	sst s8  }
0x11: {  	[smem:$0x3FB7] =	sst s9;
	s0 =	simm.s32 @!p0 $0x0  }
0x12: {  	s1 =	sld [smem:$0x3F9D];
	s0 =	simm.s32 @p0 $0x1  }
0x13: {  	[smem:$0x3FB8] =	sst s0;
	s0 =	simm.s32 @!p1 $0x0  }
0x14: {  	s2 =	sld [smem:$0x3F9C];
	s0 =	simm.s32 @p1 $0x1  }
0x15: {  	[smem:$0x3FB9] =	sst s0;
	s0 =	simm.s32 @!p2 $0x0  }
0x16: {  	s3 =	sld [smem:$0x3FDB];
	s0 =	simm.s32 @p2 $0x1  }
0x17: {  	s4 =	simm.s32 $0x1BF5;
	[smem:$0x3FBB] =	sst s0  }
0x18: {  	s0 =	sld [smem:$0x3F9E];
	_ =	swait.ge [sflag:s4], $0x0  }
0x19: {  	s7 =	sld [smem:$0x3F9F]  }
0x1a: {  	s8 =	sadd.s32 $0xFFFFE003, lr  }
0x1b: {  	s9 =	sadd.s32 $0xFFFFFEF7, lr;
	s5 =	simm.s32 $0xFFFFFFFF;
	p2 =	slt.u32 s8, $0xFFFFF086  }
0x1c: {  	p1 =	slt.u32 s9, $0xF7A;
	s5 =	simm.s32 @!p2 $0x0  }
0x1d: {  	s5 =	simm.s32 @p1 $0x1;
	p0 =	seq.s32 s7, s2  }
0x1e: {  	s7 =	smul.u32 @!p0 $0xF7A, s2;
	p2 =	seq.s32 @!p0 s5, $0x0  }
0x1f: {  	s9 =	smul.u32 $0xF7A, s1;
	s8 =	simm.s32 @!p0 $0x1BF5;
	p2 =	por !p2, p0  }
0x20: {  	[sflag:s8] =	ssyncset.s32 @!p0 $0xFFFFF086;
	s6 =	sadd.s32 @!p0 s3, s7;
	s7 =	simm.s32 @!p0 $0x108  }
0x21: {  	s3 =	sadd.s32 s3, s9;
	s6 =	sadd.s32 @!p0 $0x88, s6;
	s7 =	simm.s32 @p2 $0x1082  }
0x22: {  	[simem:s7], [sflag:s8] =	dma.local @!p0 [hbm:s6], $0xF7A  }
0x23: {  	s9 =	sor.u32 $0xD0000000, s2;
	s6 =	simm.s32 $0x108;
	_ =	swait.ge @!p0 [sflag:s8], $0x0  }
0x24: {  	s3 =	sadd.s32 $0x88, s3;
	s6 =	simm.s32 @!p1 $0x1082;
	[sflag:s4] =	ssyncset.s32 $0xFFFFF086  }
0x25: {  	[simem:s6], [sflag:s4] =	dma.local [hbm:s3], $0xF7A  }
0x26: {  	[smem:$0x3F9F] =	sst s1;
	(tag) =	ssettag s2;
	_ =	strace s9  }
0x27: {  	s1 =	sld [smem:$0x3FAF]  }
0x28: {  	s2 =	sld [smem:$0x3FB0]  }
0x29: {  	s4 =	sld [smem:$0x3FB2]  }
0x2a: {  	p0 =	seq.s32 s5, $0x0;
	s5 =	sld [smem:$0x3FB3]  }
0x2b: {  	s6 =	sld [smem:$0x3FB4]  }
0x2c: {  	s7 =	sld [smem:$0x3FB5]  }
0x2d: {  	s3 =	simm.s32 $0x108;
	s8 =	sld [smem:$0x3FB6]  }
0x2e: {  	s3 =	simm.s32 @!p0 $0x1082;
	s9 =	sld [smem:$0x3FB7]  }
0x2f: {  	lr =	sadd.s32 s0, s3;
	s0 =	sld [smem:$0x3FAE]  }
0x30: {  	s3 =	sld [smem:$0x3FB1]  }
0x31: {  	[smem:$0x3FBA] =	sst s10  }
0x32: {  	s10 =	sld [smem:$0x3FB8];
	_ =	sdelay $0x3  }
0x33: {  	p0 =	seq.s32 s10, $0x1;
	s10 =	sld [smem:$0x3FBA];
	_ =	sdelay $0x3  }
0x34: {  	[smem:$0x3FBA] =	sst s10  }
0x35: {  	s10 =	sld [smem:$0x3FB9];
	_ =	sdelay $0x3  }
0x36: {  	p1 =	seq.s32 s10, $0x1;
	s10 =	sld [smem:$0x3FBA];
	_ =	sdelay $0x3  }
0x37: {  	[smem:$0x3FBA] =	sst s10  }
0x38: {  	s10 =	sld [smem:$0x3FBB]  }
0x39: {  	_ = 	snop;
	(pc) =	sbr.ind lr, $3  }
0x3a: {  	_ = 	snop  }
0x3b: {  	_ = 	snop  }
0x3c: {  	p2 =	seq.s32 s10, $0x1;
	s10 =	sld [smem:$0x3FBA]  }
0x3d: {  	_ =	shalt  }
0x3e: {  	_ =	shalt  }
0x3f: {  	_ =	shalt  }
0x40: {  	_ =	shalt  }
0x41: {  	_ =	shalt  }
0x42: {  	_ =	shalt  }
0x43: {  	_ =	shalt  }
0x44: {  	_ =	shalt  }
0x45: {  	_ =	shalt  }
0x46: {  	_ =	shalt  }
0x47: {  	_ =	shalt  }
0x48: {  	_ =	shalt  }
0x49: {  	_ =	shalt  }
0x4a: {  	_ =	shalt  }
0x4b: {  	_ =	shalt  }
0x4c: {  	_ =	shalt  }
0x4d: {  	_ =	shalt  }
0x4e: {  	_ =	shalt  }
0x4f: {  	_ =	shalt  }
0x50: {  	_ =	shalt  }
0x51: {  	_ =	shalt  }
0x52: {  	_ =	shalt  }
0x53: {  	_ =	shalt  }
0x54: {  	_ =	shalt  }
0x55: {  	_ =	shalt  }
0x56: {  	_ =	shalt  }
0x57: {  	_ =	shalt  }
0x58: {  	_ =	shalt  }
0x59: {  	_ =	shalt  }
0x5a: {  	_ =	shalt  }
0x5b: {  	_ =	shalt  }
0x5c: {  	_ =	shalt  }
0x5d: {  	_ =	shalt  }
0x5e: {  	_ =	shalt  }
0x5f: {  	_ =	shalt  }
0x60: {  	_ =	shalt  }
0x61: {  	_ =	shalt  }
0x62: {  	_ =	shalt  }
0x63: {  	_ =	shalt  }
0x64: {  	_ =	shalt  }
0x65: {  	_ =	shalt  }
0x66: {  	_ =	shalt  }
0x67: {  	_ =	shalt  }
0x68: {  	_ =	shalt  }
0x69: {  	_ =	shalt  }
0x6a: {  	_ =	shalt  }
0x6b: {  	_ =	shalt  }
0x6c: {  	_ =	shalt  }
0x6d: {  	_ =	shalt  }
0x6e: {  	_ =	shalt  }
0x6f: {  	_ =	shalt  }
0x70: {  	_ =	shalt  }
0x71: {  	_ =	shalt  }
0x72: {  	_ =	shalt  }
0x73: {  	_ =	shalt  }
0x74: {  	_ =	shalt  }
0x75: {  	_ =	shalt  }
0x76: {  	_ =	shalt  }
0x77: {  	_ =	shalt  }
0x78: {  	_ =	shalt  }
0x79: {  	_ =	shalt  }
0x7a: {  	_ =	shalt  }
0x7b: {  	_ =	shalt  }
0x7c: {  	_ =	shalt  }
0x7d: {  	_ =	shalt  }
0x7e: {  	_ =	shalt  }
0x7f: {  	_ =	shalt  }
0x80: {  	_ =	shalt  }
0x81: {  	_ =	shalt  }
0x82: {  	_ =	shalt  }
0x83: {  	_ =	shalt  }
0x84: {  	_ =	shalt  }
0x85: {  	_ =	shalt  }
0x86: {  	_ =	shalt  }
0x87: {  	_ =	shalt  }
.Lfunc_end0:
.L_simem_size_0:
called_computation_lowered:
.L_overlay_start_0:
0x88: {  	s2 =	sld [smem:$0x3FD9]  }
0x89: {  	s3 =	sld [smem:$0x3FFE];
	_ =	sdelay $0x1  }
0x8a: {  	s1 =	srdreg.scid  }
0x8b: {  	s0 =	sand.u32 $0x1, s1  }
0x8c: {  	s16 =	sshll.u32 s0, $0xA;
	s2 =	sadd.s32 s3, s2  }
0x8d: {  	s2 =	sadd.s32 s2, s16  }
0x8e: {  	[smem:$0x3FC6] =	sst s2  }
0x8f: {  	_ = 	snop  }
0x90: {  	(tm) =	ssettm $0x1  }
0x91: {  	s17 =	sld [smem:$0x3FFB];
	_ =	sdelay $0x3  }
0x92: {  	_ =	strace s17  }
0x93: {  	s2 =	sld [smem:$0x3FFC];
	_ =	sdelay $0x3  }
0x94: {  	_ =	strace s2  }
0x95: {  	s2 =	sld [smem:$0x3FFD];
	_ =	sdelay $0x3  }
0x96: {  	_ =	strace s2  }
0x97: {  	_ =	strace $0x8FFFFFFF  }
0x98: {  	s18 =	sld [smem:$0x3FDB];
	_ =	sdelay $0x1  }
0x99: {  	s19 =	simm.s32 $_scs_section_size  }
0x9a: {  	s4 =	simm.s32 $_size__tile_overlayer_lowered;
	s5 =	simm.s32 $_tile_overlayer_lowered  }
0x9b: {  	s22 =	simm.s32 $0x1BFF;
	s21 =	sshll.u32 s5, $0x1;
	s2 =	sadd.s32 s19, s18  }
0x9c: {  	s6 =	simm.s32 $0x0;
	s20 =	sshll.u32 s4, $0x1;
	s4 =	sadd.s32 s21, s2  }
0x9d: {  	[timem:s6], [sflag:s22] =	dma.local [hbm:s4], s20  }
0x9e: {  	_ =	swait.ge [sflag:s22], s20  }
0x9f: {  	s3 =	ssub.s32 $0x0, s20;
	[sflag:s22] =	ssyncset.done $0x0  }
0xa0: {  	[sflag:s22] =	ssyncadd.s32 s3;
	_ =	sdelay $0x1  }
0xa1: {  	s23 =	simm.s32 $0x1B8B  }
0xa2: {  	_ =	swait.ge [sflag:s23], $0x1  }
0xa3: {  	[sflag:s23] =	ssyncset.done $0x0  }
0xa4: {  	s25 =	simm.s32 $0x1B8E;
	s24 =	sld [smem:$0x3FFE];
	[sflag:s23] =	ssyncadd.s32 $0xFFFFFFFF  }
0xa5: {  	s26 =	simm.s32 $execute0_lowered;
	[smem:$0x3FD2] =	sst s25  }
0xa6: {  	s4 =	sshll.u32 s26, $0x1;
	_ =	strace $0x80000046;
	[dreg:$0x1] =	wrdreg $0xFFFFFFFF  }
0xa7: {  	s28 =	simm.s32 $_size_execute0_lowered;
	s2 =	sadd.s32 s2, s4;
	[dreg:$0x0] =	wrdreg $0x0  }
0xa8: {  	s4 =	sshll.u32 s28, $0x1;
	[dreg:$0x2] =	wrdreg s2  }
0xa9: {  	[dreg:$0x3] =	wrdreg s4  }
0xaa: {  	[dreg:$0x4] =	wrdreg $0xC0  }
0xab: {  	_ =	task [dreg:s6], $0x5FFFF  }
0xac: {  	[dreg:$0x1] =	wrdreg $0xFFFFFFFF  }
0xad: {  	[dreg:$0x0] =	wrdreg $0x60  }
0xae: {  	[dreg:$0x2] =	wrdreg s24  }
0xaf: {  	[dreg:$0x3] =	wrdreg $0x9  }
0xb0: {  	_ =	task.clear_ibuf [dreg:s6], $0x4FFFF;
	_ =	strace $0x90000046  }
0xb1: {  	s29 =	simm.s32 $0x9;
	_ =	strace $0x80000048  }
0xb2: {  	_ =	swait.ge [sflag:s29], $0x1  }
0xb3: {  	[sflag:s29] =	ssyncadd.s32 $0xFFFFFFFF  }
0xb4: {  	_ =	strace $0x90000048  }
0xb5: {  	_ =	sfence  }
0xb6: {  	s30 =	sld [smem:$0x0];
	_ =	sdelay $0x2  }
0xb7: {  	s31 =	sshll.u32 s1, $0xD;
	s1 =	sshrl.u32 s1, $0x2  }
0xb8: {  	s3 =	sand.u32 $0x4000, s31;
	s1 =	sadd.s32 s1, s30  }
0xb9: {  	s0 =	sor.u32 s3, s0;
	s1 =	sshll.u32 s1, $0x11  }
0xba: {  	s0 =	sor.u32 s1, s0  }
0xbb: {  	s0 =	sadd.s32 $0x8F2B, s0  }
0xbc: {  	[sflag:s0] =	ssyncadd.remote.s32 $0x1  }
0xbd: {  	_ =	sfence.sel $0xFFFF  }
0xbe: {  	[dreg:$0x0] =	wrdreg $0xFFFFFFFF;
	(pc) =	sbr.abs _section_cstart, $3  }
0xbf: {  	[dreg:$0x1] =	wrdreg $0xFFFFFFFF  }
0xc0: {  	_ =	task.clear_ibuf [dreg:s6], $0x2FFFF;
	_ =	strace $0x9FFFFFFF  }
0xc1: {  	(tm) =	ssettm $0x7FFFFFFF  }
tec
execute0_lowered:
.L_overlay_start_1:
0x0: {  	(tag) =	ssettag $0x1  }
0x1: {  	s3 =	rddreg [dreg:$0x0]  }
0x2: {  	s0 =	rddreg [dreg:$0x1];
	s4 =	srdreg.scid  }
0x3: {  	s1 =	stileid.u32;
	s2 =	simm.s32 $0x0;
	s8 =	simm.s32 $0x4000  }
0x4: {  	s9 =	simm.s32 $0x5000;
	s10 =	simm.s32 $0x6000;
	s11 =	simm.s32 $0x6800  }
0x5: {  	v0 =	vlaneseq.u32;
	v1 =	vimm.s32 $0x76543210;
	s4 =	sand.u32 $0x1, s4;
	s5 =	sshll.u32 s1, $0x1;
	[smem:$0x7FF] =	sst s2  }
0x6: {  	v2 =	vimm.s32 $0x13121110;
	v3 =	vimm.s32 $0x17161514;
	s12 =	simm.s32 $0x0;
	v4 =	vunpack.c.l.s4.s8 v1;
	s5 =	sor.u32 s4, s5;
	_ =	strace $0x80000047  }
0x7: {  	vm0 =	vcmask $0x1F10;
	v5 =	vunpack.c.0.s8.s32 v2;
	v3 =	vunpack.c.0.s8.s32 v3;
	s4 =	ssub.s32 $0x2, s4;
	s6 =	sshll.u32 s5, $0xB;
	s5 =	sshll.u32 s5, $0x8  }
0x8: {  	v1 =	vor.u32 $0x10, v0;
	v6 =	vmul.u32 $0xFFFFFFFF, v0;
	s7 =	sshrl.u32 s4, $0x1;
	v7 =	vunpack.c.0.s8.s32 v4;
	s6 =	sadd.s32 s6, s3;
	s5 =	sadd.s32 s5, s3  }
0x9: {  	v2 =	vor.u32 $0x20, v0;
	v5 =	vsel vm0, v3, v5;
	v3 =	vor.u32 $0x30, v0;
	s7 =	ssub.s32 s4, s7;
	s3 =	sadd.s32 $0x2C00, s6;
	s4 =	sadd.s32 $0x12C00, s5  }
0xa: {  	v4 =	vadd.s32 $0xF, v6;
	vm0 =	vmmov $0xff;
	s5 =	sadd.s32 $0x14C00, s5;
	s6 =	smax.u32 s7, $0x1;
	s7 =	simm.s32 $0x1;
	v5 =	vcombine.low v7, v5  }
.LBB2_1:
0xb: {  	[tilespmem:s2], [sflag:$0x1] =	stream.linear.gather [hbm4b:s3+s2], $0x4000, $0x38;
	[tilespmem:$0x7000] =	vst v63  }
0xc: {  	_ =	swait.ge [sflag:s7], $0x4000  }
0xd: {  	[sflag:s7] =	ssyncset.done $0x0  }
0xe: {  	s14 =	simm.s32 $0x20;
	[sflag:s7] =	ssyncadd.s32 $0xFFFFC000  }
0xf: {  	s15 =	simm.s32 $0x40;
	s13 =	simm.s32 $0x0;
	v6 =	vld [tilespmem:s14+$0x10]  }
.LBB2_2:
0x10: {  	p0 =	sne.s32 s15, $0x3FC0;
	v7 =	vld [tilespmem:s14+$0x0]  }
0x11: {  	v8 =	vld [tilespmem:s14+$0xFFFFFFF0];
	_ =	sdelay $0x1  }
0x12: {  	v9 =	vld [tilespmem:s14+$0xFFFFFFE0]  }
0x13: {  	(xrf1) =	vsort.dscd.msk.f32 $0xffff, v6, v3  }
0x14: {  	(xrf1) =	vsort.dscd.msk.f32 $0xffff, v7, v2  }
0x15: {  	(xrf1) =	vsort.dscd.msk.f32 $0xffff, v8, v1;
	_ =	sdelay $0x1  }
0x16: {  	(xrf1) =	vsort.dscd.msk.f32 $0xffff, v9, v0;
	_ =	sdelay $0x9  }
0x17: {  	v6, v7, _ =	vpop (xrf1)  }
0x18: {  	v6 =	vperm.xlane v6, v4;
	v8, v9, _ =	vpop (xrf1)  }
0x19: {  	v7 =	vperm.xlane v7, v4;
	v10, v11, _ =	vpop (xrf1)  }
0x1a: {  	v10 =	vperm.xlane v10, v4;
	vm1 =	vge.f32 v8, v6  }
0x1b: {  	v11 =	vperm.xlane v11, v4;
	v6 =	vsel vm1, v8, v6;
	v7 =	vsel vm1, v9, v7;
	v8, v9, _ =	vpop (xrf1)  }
0x1c: {  	vm1 =	vge.f32 v8, v10;
	(xrf1) =	vsort.dscd.msk.f32 $0xffff, v6, v7  }
0x1d: {  	v6 =	vsel vm1, v8, v10;
	v7 =	vsel vm1, v9, v11  }
0x1e: {  	(xrf1) =	vsort.dscd.msk.f32 $0xffff, v6, v7;
	_ =	sdelay $0xb  }
0x1f: {  	v6, v7, _ =	vpop (xrf1)  }
0x20: {  	v6 =	vperm.xlane v6, v4  }
0x21: {  	v7 =	vperm.xlane v7, v4;
	v8, v9, _ =	vpop (xrf1)  }
0x22: {  	vm1 =	vge.f32 v8, v6  }
0x23: {  	v6 =	vsel vm1, v8, v6;
	v7 =	vsel vm1, v9, v7  }
0x24: {  	(xrf1) =	vsort.dscd.msk.f32 $0xffff, v6, v7;
	_ =	sdelay $0xd  }
0x25: {  	s16 =	sshra.s32 s13, $0x2;
	s13 =	smov.u32 s15;
	v6, v7, _ =	vpop (xrf1)  }
0x26: {  	[tilespmem:s16+$0x5000] =	vst v7;
	(xrf0) =	vmax.scan.msk.f32 $0xffff, v6;
	_ =	sdelay $0x5  }
0x27: {  	v7, _, _ =	vpop (xrf0)  }
0x28: {  	v7 =	vbroadcast v7, $0xF;
	_ =	sdelay $0x1  }
0x29: {  	v6 =	vsub.f32 v6, v7;
	_ =	sdelay $0x1  }
0x2a: {  	v6 =	vmul.f32 $1.442695020e+00, v6;
	_ =	sdelay $0x1  }
0x2b: {  	(erf) = vpow2.f32 v6;
	_ =	sdelay $0x8  }
0x2c: {  	v6 =	vpop (erf)  }
0x2d: {  	v6 =	vnsel vm0, $0x0, v6  }
0x2e: {  	(xrf2) =	vadd.scan.msk.f32 $0xffff, v6;
	_ =	sdelay $0x9  }
0x2f: {  	v7, _, _ =	vpop (xrf2)  }
0x30: {  	v7 =	vbroadcast v7, $0xF;
	_ =	sdelay $0x1  }
0x31: {  	(erf) = vrcp.f32 v7;
	_ =	sdelay $0x8  }
.Ltmp0:
0x32: {  	v7 =	vpop (erf);
	(pc) =	sbr.rel @p0 .LBB2_2-.Ltmp0, $3  }
0x33: {  	v6 =	vmul.f32 v7, v6;
	_ =	sdelay $0x1  }
0x34: {  	s14 =	sadd.s32 $0x40, s14;
	[tilespmem:s16+$0x4000] =	vst v6  }
0x35: {  	s15 =	sadd.s32 $0x40, s15;
	v6 =	vld [tilespmem:s14+$0x10]  }
0x36: {  	v7 =	vld [tilespmem:s14+$0x0]  }
0x37: {  	v8 =	vld [tilespmem:s14+$0xFFFFFFF0];
	_ =	sdelay $0x1  }
0x38: {  	v9 =	vld [tilespmem:s14+$0xFFFFFFE0]  }
0x39: {  	(xrf1) =	vsort.dscd.msk.f32 $0xffff, v6, v3  }
0x3a: {  	(xrf1) =	vsort.dscd.msk.f32 $0xffff, v7, v2  }
0x3b: {  	(xrf1) =	vsort.dscd.msk.f32 $0xffff, v8, v1;
	_ =	sdelay $0x1  }
0x3c: {  	(xrf1) =	vsort.dscd.msk.f32 $0xffff, v9, v0;
	_ =	sdelay $0x9  }
0x3d: {  	v6, v7, _ =	vpop (xrf1)  }
0x3e: {  	v6 =	vperm.xlane v6, v4;
	v8, v60, _ =	vpop (xrf1)  }
0x3f: {  	v7 =	vperm.xlane v7, v4;
	v10, v11, _ =	vpop (xrf1)  }
0x40: {  	v10 =	vperm.xlane v10, v4;
	vm1 =	vge.f32 v8, v6  }
0x41: {  	v11 =	vperm.xlane v11, v4;
	v6 =	vsel vm1, v8, v6;
	v7 =	vsel vm1, v60, v7;
	v8, v61, _ =	vpop (xrf1)  }
0x42: {  	vm1 =	vge.f32 v8, v10;
	(xrf1) =	vsort.dscd.msk.f32 $0xffff, v6, v7  }
0x43: {  	v6 =	vsel vm1, v8, v10;
	v7 =	vsel vm1, v61, v11  }
0x44: {  	(xrf1) =	vsort.dscd.msk.f32 $0xffff, v6, v7;
	_ =	sdelay $0xb  }
0x45: {  	v6, v7, _ =	vpop (xrf1)  }
0x46: {  	v6 =	vperm.xlane v6, v4  }
0x47: {  	v7 =	vperm.xlane v7, v4;
	v8, v62, _ =	vpop (xrf1)  }
0x48: {  	vm1 =	vge.f32 v8, v6  }
0x49: {  	v6 =	vsel vm1, v8, v6;
	v7 =	vsel vm1, v62, v7  }
0x4a: {  	(xrf1) =	vsort.dscd.msk.f32 $0xffff, v6, v7;
	_ =	sdelay $0xd  }
0x4b: {  	v6, v7, _ =	vpop (xrf1)  }
0x4c: {  	(xrf0) =	vmax.scan.msk.f32 $0xffff, v6;
	_ =	sdelay $0x5  }
0x4d: {  	v8, _, _ =	vpop (xrf0)  }
0x4e: {  	v8 =	vbroadcast v8, $0xF;
	_ =	sdelay $0x1  }
0x4f: {  	v6 =	vsub.f32 v6, v8;
	_ =	sdelay $0x1  }
0x50: {  	v6 =	vmul.f32 $1.442695020e+00, v6;
	_ =	sdelay $0x1  }
0x51: {  	(erf) = vpow2.f32 v6;
	_ =	sdelay $0x8  }
0x52: {  	v6 =	vpop (erf)  }
0x53: {  	v6 =	vnsel vm0, $0x0, v6  }
0x54: {  	(xrf2) =	vadd.scan.msk.f32 $0xffff, v6;
	_ =	sdelay $0x9  }
0x55: {  	v8, _, _ =	vpop (xrf2)  }
0x56: {  	v8 =	vbroadcast v8, $0xF;
	_ =	sdelay $0x1  }
0x57: {  	(erf) = vrcp.f32 v8;
	_ =	sdelay $0x6  }
0x58: {  	s29 =	simm.s32 $0x0  }
0x59: {  	v8 =	vadd.s32 s29, v5  }
0x5a: {  	v63 =	vpop (erf)  }
0x5b: {  	s13 =	sshra.s32 s13, $0x2;
	v6 =	vmul.f32 v63, v6  }
0x5c: {  	[tilespmem:s13+$0x5000] =	vst v7  }
0x5d: {  	[tilespmem:s13+$0x4000] =	vst v6  }
0x5e: {  	v6 =	vld.idx.msk [tilespmem:v8+s8+$0x0], $0xffff;
	_ =	sdelay $0x3  }
0x5f: {  	s30 =	simm.s32 $0x6000  }
0x60: {  	[tilespmem:s30+$0x0] =	vst v6  }
0x61: {  	s31 =	simm.s32 $0x20;
	v6 =	vld.idx.msk [tilespmem:v8+s9+$0x0], $0xffff  }
0x62: {  	v7 =	vadd.s32 s31, v5;
	_ =	sdelay $0x2  }
0x63: {  	s13 =	simm.s32 $0x6800  }
0x64: {  	[tilespmem:s13+$0x0] =	vst v6  }
0x65: {  	v6 =	vld.idx.msk [tilespmem:v7+s8+$0x0], $0xffff;
	_ =	sdelay $0x3  }
0x66: {  	s14 =	simm.s32 $0x6010  }
0x67: {  	[tilespmem:s14+$0x0] =	vst v6  }
0x68: {  	s15 =	simm.s32 $0x40;
	v7 =	vld.idx.msk [tilespmem:v7+s9+$0x0], $0xffff  }
0x69: {  	v6 =	vadd.s32 s15, v5;
	s15 =	simm.s32 $0x60  }
.LBB2_4:
0x6a: {  	p0 =	sne.s32 s15, $0xFE0;
	_ =	sdelay $0x1  }
0x6b: {  	s13 =	sadd.s32 $0x10, s13  }
0x6c: {  	[tilespmem:s13+$0x0] =	vst v7  }
0x6d: {  	v7 =	vld.idx.msk [tilespmem:v6+s8+$0x0], $0xffff;
	_ =	sdelay $0x4  }
.Ltmp1:
0x6e: {  	s14 =	sadd.s32 $0x10, s14;
	(pc) =	sbr.rel @p0 .LBB2_4-.Ltmp1, $3  }
0x6f: {  	[tilespmem:s14+$0x0] =	vst v7  }
0x70: {  	v7 =	vld.idx.msk [tilespmem:v6+s9+$0x0], $0xffff;
	_ =	sdelay $0x1  }
0x71: {  	v6 =	vadd.s32 s15, v5;
	s15 =	sadd.s32 $0x20, s15  }
0x72: {  	_ =	sdelay $0x1  }
0x73: {  	s13 =	sadd.s32 $0x10, s13  }
0x74: {  	[tilespmem:s13+$0x0] =	vst v7  }
0x75: {  	v7 =	vld.idx.msk [tilespmem:v6+s8+$0x0], $0xffff;
	_ =	sdelay $0x3  }
0x76: {  	s14 =	sadd.s32 $0x10, s14  }
0x77: {  	[tilespmem:s14+$0x0] =	vst v7  }
0x78: {  	v6 =	vld.idx.msk [tilespmem:v6+s9+$0x0], $0xffff;
	_ =	sdelay $0x3  }
0x79: {  	s13 =	sadd.s32 $0x10, s13  }
0x7a: {  	[tilespmem:s13+$0x0] =	vst v6  }
0x7b: {  	[hbm4b:s4+s2] =	stream.linear.scatter [tilespmem:s10], [sflag:$0x1], $0x800, $0x38;
	[tilespmem:$0x7000] =	vst v63  }
0x7c: {  	s12 =	sadd.s32 $0x1, s12;
	_ =	swait.ge [sflag:s7], $0x800  }
0x7d: {  	p0 =	sne.s32 s12, s6;
	[sflag:s7] =	ssyncset.done $0x0  }
.Ltmp2:
0x7e: {  	[sflag:s7] =	ssyncadd.s32 $0xFFFFF800;
	(pc) =	sbr.rel @p0 .LBB2_1-.Ltmp2, $4  }
0x7f: {  	[hbm4b:s5+s2] =	stream.linear.scatter [tilespmem:s11], [sflag:$0x1], $0x800, $0x38;
	[tilespmem:$0x7000] =	vst v63  }
0x80: {  	_ =	swait.ge [sflag:s7], $0x800  }
0x81: {  	[sflag:s7] =	ssyncset.done $0x0  }
0x82: {  	[sflag:s7] =	ssyncadd.s32 $0xFFFFF800  }
0x83: {  	_ =	sfence.sel $0x180000  }
0x84: {  	[bflag:$0x0] =	sbarrier.arrive $0xFFFF  }
0x85: {  	p0 =	sne.s32 s1, $0x0;
	_ =	strace $0x90000047  }
0x86: {  	s0 =	sadd.s32 @!p0 $0x100000, s0;
	[bflag:$0x2] =	sbarrier.arrive $0xFFFF  }
0x87: {  	[sflag:s0] =	ssyncadd.tile.s32 @!p0 $0x1;
	_ =	shalt  }
.Lfunc_end2:
_tile_overlayer_lowered:
.L_overlay_start_2:
0x88: {  	(tag) =	ssettag $0x2  }
0x89: {  	s0 =	rddreg [dreg:$0x0];
	s2 =	stileid.u32  }
0x8a: {  	s1 =	rddreg [dreg:$0x1];
	p0 =	sne.s32 s2, $0x0  }
0x8b: {  	s3 =	rddreg [dreg:$0x2];
	[bflag:$0x3] =	sbarrier.arrive $0xFFFF;
	s2 =	simm.s32 @!p0 $0x1C01  }
0x8c: {  	[timem:s3], [sflag:s2] =	dma.local @!p0 [hbm:s0], s1  }
0x8d: {  	s0 =	simm.s32 @!p0 $0x1  }
0x8e: {  	_ =	swait.ge @!p0 [sflag:s0], s1  }
0x8f: {  	s1 =	ssub.s32 @!p0 $0x0, s1;
	[sflag:s0] =	ssyncset.done @!p0 $0x0  }
0x90: {  	[sflag:s0] =	ssyncadd.s32 @!p0 s1  }
0x91: {  	[bflag:$0x3] =	sbarrier.arrive $0xFFFF  }
0x92: {  	_ =	shalt  }

// kernel: kernel.13.cloned.1.call-start
scs
__scs_entry_jumppad:
0x0: {  	(pc) =	sbr.rel $0x88, $3  }
0x1: {  	(tag) =	ssettag $0x0;
	lr =	simm.s32 $0x1  }
0x2: {  	[smem:$0x3F9F] =	sst lr;
	_ =	strace $0xD0000000  }
0x3: {  	_ = 	snop  }
0x4: {  	_ = 	snop  }
0x5: {  	_ = 	snop  }
0x6: {  	_ = 	snop  }
0x7: {  	_ = 	snop  }
__scs_overlays_trampoline_lowered:
0x8: {  	[smem:$0x3FAE] =	sst s0  }
0x9: {  	[smem:$0x3FAF] =	sst s1  }
0xa: {  	[smem:$0x3FB0] =	sst s2  }
0xb: {  	[smem:$0x3FB1] =	sst s3  }
0xc: {  	[smem:$0x3FB2] =	sst s4  }
0xd: {  	[smem:$0x3FB3] =	sst s5  }
0xe: {  	[smem:$0x3FB4] =	sst s6  }
0xf: {  	[smem:$0x3FB5] =	sst s7  }
0x10: {  	[smem:$0x3FB6] =	sst s8  }
0x11: {  	[smem:$0x3FB7] =	sst s9;
	s0 =	simm.s32 @!p0 $0x0  }
0x12: {  	s1 =	sld [smem:$0x3F9D];
	s0 =	simm.s32 @p0 $0x1  }
0x13: {  	[smem:$0x3FB8] =	sst s0;
	s0 =	simm.s32 @!p1 $0x0  }
0x14: {  	s2 =	sld [smem:$0x3F9C];
	s0 =	simm.s32 @p1 $0x1  }
0x15: {  	[smem:$0x3FB9] =	sst s0;
	s0 =	simm.s32 @!p2 $0x0  }
0x16: {  	s3 =	sld [smem:$0x3FDB];
	s0 =	simm.s32 @p2 $0x1  }
0x17: {  	s4 =	simm.s32 $0x1BF5;
	[smem:$0x3FBB] =	sst s0  }
0x18: {  	s0 =	sld [smem:$0x3F9E];
	_ =	swait.ge [sflag:s4], $0x0  }
0x19: {  	s7 =	sld [smem:$0x3F9F]  }
0x1a: {  	s8 =	sadd.s32 $0xFFFFE003, lr  }
0x1b: {  	s9 =	sadd.s32 $0xFFFFFEF7, lr;
	s5 =	simm.s32 $0xFFFFFFFF;
	p2 =	slt.u32 s8, $0xFFFFF086  }
0x1c: {  	p1 =	slt.u32 s9, $0xF7A;
	s5 =	simm.s32 @!p2 $0x0  }
0x1d: {  	s5 =	simm.s32 @p1 $0x1;
	p0 =	seq.s32 s7, s2  }
0x1e: {  	s7 =	smul.u32 @!p0 $0xF7A, s2;
	p2 =	seq.s32 @!p0 s5, $0x0  }
0x1f: {  	s9 =	smul.u32 $0xF7A, s1;
	s8 =	simm.s32 @!p0 $0x1BF5;
	p2 =	por !p2, p0  }
0x20: {  	[sflag:s8] =	ssyncset.s32 @!p0 $0xFFFFF086;
	s6 =	sadd.s32 @!p0 s3, s7;
	s7 =	simm.s32 @!p0 $0x108  }
0x21: {  	s3 =	sadd.s32 s3, s9;
	s6 =	sadd.s32 @!p0 $0x88, s6;
	s7 =	simm.s32 @p2 $0x1082  }
0x22: {  	[simem:s7], [sflag:s8] =	dma.local @!p0 [hbm:s6], $0xF7A  }
0x23: {  	s9 =	sor.u32 $0xD0000000, s2;
	s6 =	simm.s32 $0x108;
	_ =	swait.ge @!p0 [sflag:s8], $0x0  }
0x24: {  	s3 =	sadd.s32 $0x88, s3;
	s6 =	simm.s32 @!p1 $0x1082;
	[sflag:s4] =	ssyncset.s32 $0xFFFFF086  }
0x25: {  	[simem:s6], [sflag:s4] =	dma.local [hbm:s3], $0xF7A  }
0x26: {  	[smem:$0x3F9F] =	sst s1;
	(tag) =	ssettag s2;
	_ =	strace s9  }
0x27: {  	s1 =	sld [smem:$0x3FAF]  }
0x28: {  	s2 =	sld [smem:$0x3FB0]  }
0x29: {  	s4 =	sld [smem:$0x3FB2]  }
0x2a: {  	p0 =	seq.s32 s5, $0x0;
	s5 =	sld [smem:$0x3FB3]  }
0x2b: {  	s6 =	sld [smem:$0x3FB4]  }
0x2c: {  	s7 =	sld [smem:$0x3FB5]  }
0x2d: {  	s3 =	simm.s32 $0x108;
	s8 =	sld [smem:$0x3FB6]  }
0x2e: {  	s3 =	simm.s32 @!p0 $0x1082;
	s9 =	sld [smem:$0x3FB7]  }
0x2f: {  	lr =	sadd.s32 s0, s3;
	s0 =	sld [smem:$0x3FAE]  }
0x30: {  	s3 =	sld [smem:$0x3FB1]  }
0x31: {  	[smem:$0x3FBA] =	sst s10  }
0x32: {  	s10 =	sld [smem:$0x3FB8];
	_ =	sdelay $0x3  }
0x33: {  	p0 =	seq.s32 s10, $0x1;
	s10 =	sld [smem:$0x3FBA];
	_ =	sdelay $0x3  }
0x34: {  	[smem:$0x3FBA] =	sst s10  }
0x35: {  	s10 =	sld [smem:$0x3FB9];
	_ =	sdelay $0x3  }
0x36: {  	p1 =	seq.s32 s10, $0x1;
	s10 =	sld [smem:$0x3FBA];
	_ =	sdelay $0x3  }
0x37: {  	[smem:$0x3FBA] =	sst s10  }
0x38: {  	s10 =	sld [smem:$0x3FBB]  }
0x39: {  	_ = 	snop;
	(pc) =	sbr.ind lr, $3  }
0x3a: {  	_ = 	snop  }
0x3b: {  	_ = 	snop  }
0x3c: {  	p2 =	seq.s32 s10, $0x1;
	s10 =	sld [smem:$0x3FBA]  }
0x3d: {  	_ =	shalt  }
0x3e: {  	_ =	shalt  }
0x3f: {  	_ =	shalt  }
0x40: {  	_ =	shalt  }
0x41: {  	_ =	shalt  }
0x42: {  	_ =	shalt  }
0x43: {  	_ =	shalt  }
0x44: {  	_ =	shalt  }
0x45: {  	_ =	shalt  }
0x46: {  	_ =	shalt  }
0x47: {  	_ =	shalt  }
0x48: {  	_ =	shalt  }
0x49: {  	_ =	shalt  }
0x4a: {  	_ =	shalt  }
0x4b: {  	_ =	shalt  }
0x4c: {  	_ =	shalt  }
0x4d: {  	_ =	shalt  }
0x4e: {  	_ =	shalt  }
0x4f: {  	_ =	shalt  }
0x50: {  	_ =	shalt  }
0x51: {  	_ =	shalt  }
0x52: {  	_ =	shalt  }
0x53: {  	_ =	shalt  }
0x54: {  	_ =	shalt  }
0x55: {  	_ =	shalt  }
0x56: {  	_ =	shalt  }
0x57: {  	_ =	shalt  }
0x58: {  	_ =	shalt  }
0x59: {  	_ =	shalt  }
0x5a: {  	_ =	shalt  }
0x5b: {  	_ =	shalt  }
0x5c: {  	_ =	shalt  }
0x5d: {  	_ =	shalt  }
0x5e: {  	_ =	shalt  }
0x5f: {  	_ =	shalt  }
0x60: {  	_ =	shalt  }
0x61: {  	_ =	shalt  }
0x62: {  	_ =	shalt  }
0x63: {  	_ =	shalt  }
0x64: {  	_ =	shalt  }
0x65: {  	_ =	shalt  }
0x66: {  	_ =	shalt  }
0x67: {  	_ =	shalt  }
0x68: {  	_ =	shalt  }
0x69: {  	_ =	shalt  }
0x6a: {  	_ =	shalt  }
0x6b: {  	_ =	shalt  }
0x6c: {  	_ =	shalt  }
0x6d: {  	_ =	shalt  }
0x6e: {  	_ =	shalt  }
0x6f: {  	_ =	shalt  }
0x70: {  	_ =	shalt  }
0x71: {  	_ =	shalt  }
0x72: {  	_ =	shalt  }
0x73: {  	_ =	shalt  }
0x74: {  	_ =	shalt  }
0x75: {  	_ =	shalt  }
0x76: {  	_ =	shalt  }
0x77: {  	_ =	shalt  }
0x78: {  	_ =	shalt  }
0x79: {  	_ =	shalt  }
0x7a: {  	_ =	shalt  }
0x7b: {  	_ =	shalt  }
0x7c: {  	_ =	shalt  }
0x7d: {  	_ =	shalt  }
0x7e: {  	_ =	shalt  }
0x7f: {  	_ =	shalt  }
0x80: {  	_ =	shalt  }
0x81: {  	_ =	shalt  }
0x82: {  	_ =	shalt  }
0x83: {  	_ =	shalt  }
0x84: {  	_ =	shalt  }
0x85: {  	_ =	shalt  }
0x86: {  	_ =	shalt  }
0x87: {  	_ =	shalt  }
.Lfunc_end0:
.L_simem_size_0:
called_computation.1_lowered:
.L_overlay_start_0:
0x88: {  	s2 =	sld [smem:$0x3FD9]  }
0x89: {  	s3 =	sld [smem:$0x3FFE];
	_ =	sdelay $0x1  }
0x8a: {  	s1 =	srdreg.scid  }
0x8b: {  	s0 =	sand.u32 $0x1, s1  }
0x8c: {  	s15 =	sshll.u32 s0, $0xA;
	s2 =	sadd.s32 s3, s2  }
0x8d: {  	s2 =	sadd.s32 s2, s15  }
0x8e: {  	[smem:$0x3FC6] =	sst s2  }
0x8f: {  	_ = 	snop  }
0x90: {  	s2 =	sld [smem:$0x3FD0];
	_ =	sdelay $0x2  }
0x91: {  	s4 =	simm.s32 $0xD;
	s16 =	simm.s32 $0x10  }
0x92: {  	[smem:s16], [sflag:s4] =	dma.local [hbm:s2], $0x1  }
0x93: {  	_ =	swait.eq [sflag:s4], $0x1  }
0x94: {  	[sflag:s4] =	ssyncset.done $0x0  }
0x95: {  	s17 =	sld [smem:$0x10];
	[sflag:s4] =	ssyncadd.s32 $0xFFFFFFFF  }
0x96: {  	s18 =	sld [smem:$0x11];
	(tm) =	ssettm $0x1  }
0x97: {  	s19 =	sld [smem:$0x3FFB];
	_ =	sdelay $0x3  }
0x98: {  	_ =	strace s19  }
0x99: {  	s2 =	sld [smem:$0x3FFC];
	_ =	sdelay $0x3  }
0x9a: {  	_ =	strace s2  }
0x9b: {  	s2 =	sld [smem:$0x3FFD];
	_ =	sdelay $0x3  }
0x9c: {  	_ =	strace s2  }
0x9d: {  	_ =	strace $0x8FFFFFFF  }
0x9e: {  	s20 =	sld [smem:$0x3FDB];
	_ =	sdelay $0x1  }
0x9f: {  	s5 =	simm.s32 $_scs_section_size  }
0xa0: {  	s6 =	simm.s32 $_size__tile_overlayer_lowered;
	s7 =	simm.s32 $_tile_overlayer_lowered  }
0xa1: {  	s8 =	simm.s32 $0x1BFF;
	s21 =	sshll.u32 s7, $0x1;
	s5 =	sadd.s32 s5, s20  }
0xa2: {  	s22 =	simm.s32 $0x0;
	s6 =	sshll.u32 s6, $0x1;
	s7 =	sadd.s32 s21, s5  }
0xa3: {  	[timem:s22], [sflag:s8] =	dma.local [hbm:s7], s6  }
0xa4: {  	_ =	swait.ge [sflag:s8], s6  }
0xa5: {  	s6 =	ssub.s32 $0x0, s6;
	[sflag:s8] =	ssyncset.done $0x0  }
0xa6: {  	[sflag:s8] =	ssyncadd.s32 s6;
	_ =	sdelay $0x1  }
0xa7: {  	s23 =	simm.s32 $0x1B8B  }
0xa8: {  	_ =	swait.ge [sflag:s23], $0x1  }
0xa9: {  	[sflag:s23] =	ssyncset.done $0x0  }
0xaa: {  	[sflag:s23] =	ssyncadd.s32 $0xFFFFFFFF  }
0xab: {  	s6 =	sld [smem:$0x0]  }
0xac: {  	s7 =	sand.u32 $0xFFFFFFFE, s1  }
0xad: {  	p0 =	sne.s32 s1, s7  }
0xae: {  	s7 =	sshll.u32 @p0 s7, $0xE  }
0xaf: {  	s7 =	sadd.s32 @p0 $0x11B8D, s7;
	s8 =	sshll.u32 @p0 s6, $0x11  }
0xb0: {  	s7 =	sor.u32 @p0 s8, s7  }
0xb1: {  	[sflag:s7] =	ssyncadd.remote.s32 @p0 $0x1;
	_ =	sdelay $0x1  }
0xb2: {  	s7 =	simm.s32 @p0 $0x1B8D  }
0xb3: {  	_ =	swait.eq @p0 [sflag:s7], $0x1  }
0xb4: {  	[sflag:s7] =	ssyncadd.s32 @p0 $0xFFFFFFFF  }
0xb5: {  	s8 =	sshll.u32 @!p0 s1, $0xE  }
0xb6: {  	s8 =	sor.u32 @!p0 $0x4000, s8;
	s7 =	simm.s32 @!p0 $0x1B8D  }
0xb7: {  	s6 =	sshll.u32 @!p0 s6, $0x11;
	s8 =	sadd.s32 @!p0 $0x11B8D, s8;
	_ =	swait.eq @!p0 [sflag:s7], $0x1  }
0xb8: {  	s6 =	sor.u32 @!p0 s6, s8;
	[sflag:s7] =	ssyncadd.s32 @!p0 $0xFFFFFFFF  }
0xb9: {  	s25 =	simm.s32 $0x1B8E;
	s24 =	sld [smem:$0x3FFE];
	[sflag:s6] =	ssyncadd.remote.s32 @!p0 $0x1  }
0xba: {  	s26 =	simm.s32 $execute0_lowered;
	[smem:$0x3FD2] =	sst s25  }
0xbb: {  	s7 =	sshll.u32 s26, $0x1;
	_ =	strace $0x8000004F;
	[dreg:$0x1] =	wrdreg $0xFFFFFFFF  }
0xbc: {  	s28 =	simm.s32 $_size_execute0_lowered;
	s5 =	sadd.s32 s5, s7;
	[dreg:$0x0] =	wrdreg $0x0  }
0xbd: {  	s7 =	sshll.u32 s28, $0x1;
	[dreg:$0x2] =	wrdreg s5  }
0xbe: {  	[dreg:$0x3] =	wrdreg s7  }
0xbf: {  	[dreg:$0x4] =	wrdreg $0xC0  }
0xc0: {  	_ =	task [dreg:s22], $0x5FFFF  }
0xc1: {  	[dreg:$0x1] =	wrdreg $0xFFFFFFFF  }
0xc2: {  	[dreg:$0x0] =	wrdreg $0x60  }
0xc3: {  	[dreg:$0x2] =	wrdreg s24  }
0xc4: {  	[dreg:$0x3] =	wrdreg s18  }
0xc5: {  	[dreg:$0x4] =	wrdreg s17  }
0xc6: {  	[dreg:$0x5] =	wrdreg $0xA  }
0xc7: {  	_ =	task.clear_ibuf [dreg:s22], $0x6FFFF;
	_ =	strace $0x9000004F  }
0xc8: {  	s29 =	simm.s32 $0xA;
	_ =	strace $0x80000051  }
0xc9: {  	_ =	swait.ge [sflag:s29], $0x1  }
0xca: {  	[sflag:s29] =	ssyncadd.s32 $0xFFFFFFFF  }
0xcb: {  	_ =	strace $0x90000051  }
0xcc: {  	_ =	sfence  }
0xcd: {  	s30 =	sld [smem:$0x0];
	_ =	sdelay $0x2  }
0xce: {  	s31 =	sshll.u32 s1, $0xD;
	s1 =	sshrl.u32 s1, $0x2  }
0xcf: {  	s4 =	sand.u32 $0x4000, s31;
	s1 =	sadd.s32 s1, s30  }
0xd0: {  	s0 =	sor.u32 s4, s0;
	s1 =	sshll.u32 s1, $0x11  }
0xd1: {  	s0 =	sor.u32 s1, s0  }
0xd2: {  	s0 =	sadd.s32 $0x8F2B, s0  }
0xd3: {  	[sflag:s0] =	ssyncadd.remote.s32 $0x1  }
0xd4: {  	_ =	sfence.sel $0xFFFF  }
0xd5: {  	[dreg:$0x0] =	wrdreg $0xFFFFFFFF;
	(pc) =	sbr.abs _section_cstart, $3  }
0xd6: {  	[dreg:$0x1] =	wrdreg $0xFFFFFFFF  }
0xd7: {  	_ =	task.clear_ibuf [dreg:s22], $0x2FFFF;
	_ =	strace $0x9FFFFFFF  }
0xd8: {  	(tm) =	ssettm $0x7FFFFFFF  }
0xd9: {  	_ =	shalt  }
tec
execute0_lowered:
.L_overlay_start_1:
0x0: {  	(tag) =	ssettag $0x1  }
0x1: {  	s3 =	rddreg [dreg:$0x0]  }
0x2: {  	s4 =	rddreg [dreg:$0x1]  }
0x3: {  	s1 =	srdreg.scid;
	s0 =	stileid.u32  }
0x4: {  	s5 =	rddreg [dreg:$0x2];
	s2 =	simm.s32 $0x0;
	s9 =	simm.s32 $0x5000  }
0x5: {  	s10 =	simm.s32 $0x6000;
	s11 =	simm.s32 $0x6800;
	s12 =	simm.s32 $0x0  }
0x6: {  	v0 =	vlaneseq.u32;
	v1 =	vimm.s32 $0x76543210;
	s6 =	sand.u32 $0x1, s1;
	s7 =	sshll.u32 s0, $0x1;
	s1 =	rddreg [dreg:$0x3]  }
0x7: {  	v2 =	vimm.s32 $0x13121110;
	v3 =	vimm.s32 $0x17161514;
	[smem:$0x7FF] =	sst s2;
	v4 =	vunpack.c.l.s4.s8 v1;
	s7 =	sor.u32 s6, s7;
	s6 =	ssub.s32 $0x2, s6  }
0x8: {  	vm0 =	vcmask $0x1F10;
	v5 =	vunpack.c.0.s8.s32 v2;
	v3 =	vunpack.c.0.s8.s32 v3;
	_ =	strace $0x80000050;
	s8 =	sshll.u32 s7, $0xB;
	s31 =	sshrl.u32 s6, $0x1  }
0x9: {  	v1 =	vor.u32 $0x10, v0;
	v6 =	vmul.u32 $0xFFFFFFFF, v0;
	s7 =	sshll.u32 s7, $0x8;
	v7 =	vunpack.c.0.s8.s32 v4;
	s3 =	sadd.s32 s8, s3;
	s6 =	ssub.s32 s6, s31  }
0xa: {  	v2 =	vor.u32 $0x20, v0;
	v5 =	vsel vm0, v3, v5;
	v3 =	vor.u32 $0x30, v0;
	s4 =	sadd.s32 s4, s7;
	s5 =	sadd.s32 s5, s7;
	s7 =	simm.s32 $0x1  }
0xb: {  	v4 =	vadd.s32 $0xF, v6;
	vm0 =	vmmov $0xff;
	s8 =	simm.s32 $0x4000;
	s3 =	sadd.s32 $0x3EC00, s3;
	s6 =	smax.u32 s6, $0x1;
	v5 =	vcombine.low v7, v5  }
.LBB2_1:
0xc: {  	[tilespmem:s2], [sflag:$0x1] =	stream.linear.gather [hbm4b:s3+s2], $0x4000, $0x38;
	[tilespmem:$0x7000] =	vst v63  }
0xd: {  	_ =	swait.ge [sflag:s7], $0x4000  }
0xe: {  	[sflag:s7] =	ssyncset.done $0x0  }
0xf: {  	s14 =	simm.s32 $0x20;
	[sflag:s7] =	ssyncadd.s32 $0xFFFFC000  }
0x10: {  	s15 =	simm.s32 $0x40;
	s13 =	simm.s32 $0x0;
	v6 =	vld [tilespmem:s14+$0x10]  }
.LBB2_2:
0x11: {  	p0 =	sne.s32 s15, $0x3FC0;
	v7 =	vld [tilespmem:s14+$0x0]  }
0x12: {  	v8 =	vld [tilespmem:s14+$0xFFFFFFF0];
	_ =	sdelay $0x1  }
0x13: {  	v9 =	vld [tilespmem:s14+$0xFFFFFFE0]  }
0x14: {  	(xrf1) =	vsort.dscd.msk.f32 $0xffff, v6, v3  }
0x15: {  	(xrf1) =	vsort.dscd.msk.f32 $0xffff, v7, v2  }
0x16: {  	(xrf1) =	vsort.dscd.msk.f32 $0xffff, v8, v1;
	_ =	sdelay $0x1  }
0x17: {  	(xrf1) =	vsort.dscd.msk.f32 $0xffff, v9, v0;
	_ =	sdelay $0x9  }
0x18: {  	v6, v7, _ =	vpop (xrf1)  }
0x19: {  	v6 =	vperm.xlane v6, v4;
	v8, v9, _ =	vpop (xrf1)  }
0x1a: {  	v7 =	vperm.xlane v7, v4;
	v10, v11, _ =	vpop (xrf1)  }
0x1b: {  	v10 =	vperm.xlane v10, v4;
	vm1 =	vge.f32 v8, v6  }
0x1c: {  	v11 =	vperm.xlane v11, v4;
	v6 =	vsel vm1, v8, v6;
	v7 =	vsel vm1, v9, v7;
	v8, v9, _ =	vpop (xrf1)  }
0x1d: {  	vm1 =	vge.f32 v8, v10;
	(xrf1) =	vsort.dscd.msk.f32 $0xffff, v6, v7  }
0x1e: {  	v6 =	vsel vm1, v8, v10;
	v7 =	vsel vm1, v9, v11  }
0x1f: {  	(xrf1) =	vsort.dscd.msk.f32 $0xffff, v6, v7;
	_ =	sdelay $0xb  }
0x20: {  	v6, v7, _ =	vpop (xrf1)  }
0x21: {  	v6 =	vperm.xlane v6, v4  }
0x22: {  	v7 =	vperm.xlane v7, v4;
	v8, v9, _ =	vpop (xrf1)  }
0x23: {  	vm1 =	vge.f32 v8, v6  }
0x24: {  	v6 =	vsel vm1, v8, v6;
	v7 =	vsel vm1, v9, v7  }
0x25: {  	(xrf1) =	vsort.dscd.msk.f32 $0xffff, v6, v7;
	_ =	sdelay $0xd  }
0x26: {  	s16 =	sshra.s32 s13, $0x2;
	s13 =	smov.u32 s15;
	v6, v7, _ =	vpop (xrf1)  }
0x27: {  	[tilespmem:s16+$0x5000] =	vst v7;
	(xrf0) =	vmax.scan.msk.f32 $0xffff, v6;
	_ =	sdelay $0x5  }
0x28: {  	v7, _, _ =	vpop (xrf0)  }
0x29: {  	v7 =	vbroadcast v7, $0xF;
	_ =	sdelay $0x1  }
0x2a: {  	v6 =	vsub.f32 v6, v7;
	_ =	sdelay $0x1  }
0x2b: {  	v6 =	vmul.f32 $1.442695020e+00, v6;
	_ =	sdelay $0x1  }
0x2c: {  	(erf) = vpow2.f32 v6;
	_ =	sdelay $0x8  }
0x2d: {  	v6 =	vpop (erf)  }
0x2e: {  	v6 =	vnsel vm0, $0x0, v6  }
0x2f: {  	(xrf2) =	vadd.scan.msk.f32 $0xffff, v6;
	_ =	sdelay $0x9  }
0x30: {  	v7, _, _ =	vpop (xrf2)  }
0x31: {  	v7 =	vbroadcast v7, $0xF;
	_ =	sdelay $0x1  }
0x32: {  	(erf) = vrcp.f32 v7;
	_ =	sdelay $0x8  }
.Ltmp0:
0x33: {  	v7 =	vpop (erf);
	(pc) =	sbr.rel @p0 .LBB2_2-.Ltmp0, $3  }
0x34: {  	v6 =	vmul.f32 v7, v6;
	_ =	sdelay $0x1  }
0x35: {  	s14 =	sadd.s32 $0x40, s14;
	[tilespmem:s16+$0x4000] =	vst v6  }
0x36: {  	s15 =	sadd.s32 $0x40, s15;
	v6 =	vld [tilespmem:s14+$0x10]  }
0x37: {  	v7 =	vld [tilespmem:s14+$0x0]  }
0x38: {  	v8 =	vld [tilespmem:s14+$0xFFFFFFF0];
	_ =	sdelay $0x1  }
0x39: {  	v9 =	vld [tilespmem:s14+$0xFFFFFFE0]  }
0x3a: {  	(xrf1) =	vsort.dscd.msk.f32 $0xffff, v6, v3  }
0x3b: {  	(xrf1) =	vsort.dscd.msk.f32 $0xffff, v7, v2  }
0x3c: {  	(xrf1) =	vsort.dscd.msk.f32 $0xffff, v8, v1;
	_ =	sdelay $0x1  }
0x3d: {  	(xrf1) =	vsort.dscd.msk.f32 $0xffff, v9, v0;
	_ =	sdelay $0x9  }
0x3e: {  	v6, v7, _ =	vpop (xrf1)  }
0x3f: {  	v6 =	vperm.xlane v6, v4;
	v8, v60, _ =	vpop (xrf1)  }
0x40: {  	v7 =	vperm.xlane v7, v4;
	v10, v11, _ =	vpop (xrf1)  }
0x41: {  	v10 =	vperm.xlane v10, v4;
	vm1 =	vge.f32 v8, v6  }
0x42: {  	v11 =	vperm.xlane v11, v4;
	v6 =	vsel vm1, v8, v6;
	v7 =	vsel vm1, v60, v7;
	v8, v61, _ =	vpop (xrf1)  }
0x43: {  	vm1 =	vge.f32 v8, v10;
	(xrf1) =	vsort.dscd.msk.f32 $0xffff, v6, v7  }
0x44: {  	v6 =	vsel vm1, v8, v10;
	v7 =	vsel vm1, v61, v11  }
0x45: {  	(xrf1) =	vsort.dscd.msk.f32 $0xffff, v6, v7;
	_ =	sdelay $0xb  }
0x46: {  	v6, v7, _ =	vpop (xrf1)  }
0x47: {  	v6 =	vperm.xlane v6, v4  }
0x48: {  	v7 =	vperm.xlane v7, v4;
	v8, v62, _ =	vpop (xrf1)  }
0x49: {  	vm1 =	vge.f32 v8, v6  }
0x4a: {  	v6 =	vsel vm1, v8, v6;
	v7 =	vsel vm1, v62, v7  }
0x4b: {  	(xrf1) =	vsort.dscd.msk.f32 $0xffff, v6, v7;
	_ =	sdelay $0xd  }
0x4c: {  	v6, v7, _ =	vpop (xrf1)  }
0x4d: {  	(xrf0) =	vmax.scan.msk.f32 $0xffff, v6;
	_ =	sdelay $0x5  }
0x4e: {  	v8, _, _ =	vpop (xrf0)  }
0x4f: {  	v8 =	vbroadcast v8, $0xF;
	_ =	sdelay $0x1  }
0x50: {  	v6 =	vsub.f32 v6, v8;
	_ =	sdelay $0x1  }
0x51: {  	v6 =	vmul.f32 $1.442695020e+00, v6;
	_ =	sdelay $0x1  }
0x52: {  	(erf) = vpow2.f32 v6;
	_ =	sdelay $0x8  }
0x53: {  	v6 =	vpop (erf)  }
0x54: {  	v6 =	vnsel vm0, $0x0, v6  }
0x55: {  	(xrf2) =	vadd.scan.msk.f32 $0xffff, v6;
	_ =	sdelay $0x9  }
0x56: {  	v8, _, _ =	vpop (xrf2)  }
0x57: {  	v8 =	vbroadcast v8, $0xF;
	_ =	sdelay $0x1  }
0x58: {  	(erf) = vrcp.f32 v8;
	_ =	sdelay $0x6  }
0x59: {  	s29 =	simm.s32 $0x0  }
0x5a: {  	v8 =	vadd.s32 s29, v5  }
0x5b: {  	v63 =	vpop (erf)  }
0x5c: {  	s13 =	sshra.s32 s13, $0x2;
	v6 =	vmul.f32 v63, v6  }
0x5d: {  	[tilespmem:s13+$0x5000] =	vst v7  }
0x5e: {  	[tilespmem:s13+$0x4000] =	vst v6  }
0x5f: {  	v6 =	vld.idx.msk [tilespmem:v8+s8+$0x0], $0xffff;
	_ =	sdelay $0x3  }
0x60: {  	s30 =	simm.s32 $0x6000  }
0x61: {  	[tilespmem:s30+$0x0] =	vst v6  }
0x62: {  	s31 =	simm.s32 $0x20;
	v6 =	vld.idx.msk [tilespmem:v8+s9+$0x0], $0xffff  }
0x63: {  	v7 =	vadd.s32 s31, v5;
	_ =	sdelay $0x2  }
0x64: {  	s13 =	simm.s32 $0x6800  }
0x65: {  	[tilespmem:s13+$0x0] =	vst v6  }
0x66: {  	v6 =	vld.idx.msk [tilespmem:v7+s8+$0x0], $0xffff;
	_ =	sdelay $0x3  }
0x67: {  	s14 =	simm.s32 $0x6010  }
0x68: {  	[tilespmem:s14+$0x0] =	vst v6  }
0x69: {  	s15 =	simm.s32 $0x40;
	v7 =	vld.idx.msk [tilespmem:v7+s9+$0x0], $0xffff  }
0x6a: {  	v6 =	vadd.s32 s15, v5;
	s15 =	simm.s32 $0x60  }
.LBB2_4:
0x6b: {  	p0 =	sne.s32 s15, $0xFE0;
	_ =	sdelay $0x1  }
0x6c: {  	s13 =	sadd.s32 $0x10, s13  }
0x6d: {  	[tilespmem:s13+$0x0] =	vst v7  }
0x6e: {  	v7 =	vld.idx.msk [tilespmem:v6+s8+$0x0], $0xffff;
	_ =	sdelay $0x4  }
.Ltmp1:
0x6f: {  	s14 =	sadd.s32 $0x10, s14;
	(pc) =	sbr.rel @p0 .LBB2_4-.Ltmp1, $3  }
0x70: {  	[tilespmem:s14+$0x0] =	vst v7  }
0x71: {  	v7 =	vld.idx.msk [tilespmem:v6+s9+$0x0], $0xffff;
	_ =	sdelay $0x1  }
0x72: {  	v6 =	vadd.s32 s15, v5;
	s15 =	sadd.s32 $0x20, s15  }
0x73: {  	_ =	sdelay $0x1  }
0x74: {  	s13 =	sadd.s32 $0x10, s13  }
0x75: {  	[tilespmem:s13+$0x0] =	vst v7  }
0x76: {  	v7 =	vld.idx.msk [tilespmem:v6+s8+$0x0], $0xffff;
	_ =	sdelay $0x3  }
0x77: {  	s14 =	sadd.s32 $0x10, s14  }
0x78: {  	[tilespmem:s14+$0x0] =	vst v7  }
0x79: {  	v6 =	vld.idx.msk [tilespmem:v6+s9+$0x0], $0xffff;
	_ =	sdelay $0x3  }
0x7a: {  	s13 =	sadd.s32 $0x10, s13  }
0x7b: {  	[tilespmem:s13+$0x0] =	vst v6  }
0x7c: {  	[hbm4b:s4+s2] =	stream.linear.scatter [tilespmem:s10], [sflag:$0x1], $0x800, $0x38;
	[tilespmem:$0x7000] =	vst v63  }
0x7d: {  	s12 =	sadd.s32 $0x1, s12;
	_ =	swait.ge [sflag:s7], $0x800  }
0x7e: {  	p0 =	sne.s32 s12, s6;
	[sflag:s7] =	ssyncset.done $0x0  }
.Ltmp2:
0x7f: {  	[sflag:s7] =	ssyncadd.s32 $0xFFFFF800;
	(pc) =	sbr.rel @p0 .LBB2_1-.Ltmp2, $4  }
0x80: {  	[hbm4b:s5+s2] =	stream.linear.scatter [tilespmem:s11], [sflag:$0x1], $0x800, $0x38;
	[tilespmem:$0x7000] =	vst v63  }
0x81: {  	_ =	swait.ge [sflag:s7], $0x800  }
0x82: {  	[sflag:s7] =	ssyncset.done $0x0  }
0x83: {  	[sflag:s7] =	ssyncadd.s32 $0xFFFFF800  }
0x84: {  	_ =	sfence.sel $0x180000  }
0x85: {  	[bflag:$0x0] =	sbarrier.arrive $0xFFFF  }
0x86: {  	p0 =	sne.s32 s0, $0x0;
	_ =	strace $0x90000050  }
0x87: {  	s0 =	sadd.s32 @!p0 $0x100000, s1;
	[bflag:$0x2] =	sbarrier.arrive $0xFFFF  }
0x88: {  	[sflag:s0] =	ssyncadd.tile.s32 @!p0 $0x1;
	_ =	shalt  }
.Lfunc_end2:
_tile_overlayer_lowered:
.L_overlay_start_2:
0x89: {  	(tag) =	ssettag $0x2  }
0x8a: {  	s0 =	rddreg [dreg:$0x0];
	s2 =	stileid.u32  }
0x8b: {  	s1 =	rddreg [dreg:$0x1];
	p0 =	sne.s32 s2, $0x0  }
0x8c: {  	s3 =	rddreg [dreg:$0x2];
	[bflag:$0x3] =	sbarrier.arrive $0xFFFF;
	s2 =	simm.s32 @!p0 $0x1C01  }
0x8d: {  	[timem:s3], [sflag:s2] =	dma.local @!p0 [hbm:s0], s1  }
0x8e: {  	s0 =	simm.s32 @!p0 $0x1  }
0x8f: {  	_ =	swait.ge @!p0 [sflag:s0], s1  }
0x90: {  	s1 =	ssub.s32 @!p0 $0x0, s1;
	[sflag:s0] =	ssyncset.done @!p0 $0x0  }
0x91: {  	[sflag:s0] =	ssyncadd.s32 @!p0 s1  }
0x92: {  	[bflag:$0x3] =	sbarrier.arrive $0xFFFF  }
0x93: {  	_ =	shalt  }

// kernel: kernel.16.cloned.1.call-start
scs
__scs_entry_jumppad:
0x0: {  	(pc) =	sbr.rel $0x88, $3  }
0x1: {  	(tag) =	ssettag $0x0;
	lr =	simm.s32 $0x1  }
0x2: {  	[smem:$0x3F9F] =	sst lr;
	_ =	strace $0xD0000000  }
0x3: {  	_ = 	snop  }
0x4: {  	_ = 	snop  }
0x5: {  	_ = 	snop  }
0x6: {  	_ = 	snop  }
0x7: {  	_ = 	snop  }
__scs_overlays_trampoline_lowered:
0x8: {  	[smem:$0x3FAE] =	sst s0  }
0x9: {  	[smem:$0x3FAF] =	sst s1  }
0xa: {  	[smem:$0x3FB0] =	sst s2  }
0xb: {  	[smem:$0x3FB1] =	sst s3  }
0xc: {  	[smem:$0x3FB2] =	sst s4  }
0xd: {  	[smem:$0x3FB3] =	sst s5  }
0xe: {  	[smem:$0x3FB4] =	sst s6  }
0xf: {  	[smem:$0x3FB5] =	sst s7  }
0x10: {  	[smem:$0x3FB6] =	sst s8  }
0x11: {  	[smem:$0x3FB7] =	sst s9;
	s0 =	simm.s32 @!p0 $0x0  }
0x12: {  	s1 =	sld [smem:$0x3F9D];
	s0 =	simm.s32 @p0 $0x1  }
0x13: {  	[smem:$0x3FB8] =	sst s0;
	s0 =	simm.s32 @!p1 $0x0  }
0x14: {  	s2 =	sld [smem:$0x3F9C];
	s0 =	simm.s32 @p1 $0x1  }
0x15: {  	[smem:$0x3FB9] =	sst s0;
	s0 =	simm.s32 @!p2 $0x0  }
0x16: {  	s3 =	sld [smem:$0x3FDB];
	s0 =	simm.s32 @p2 $0x1  }
0x17: {  	s4 =	simm.s32 $0x1BF5;
	[smem:$0x3FBB] =	sst s0  }
0x18: {  	s0 =	sld [smem:$0x3F9E];
	_ =	swait.ge [sflag:s4], $0x0  }
0x19: {  	s7 =	sld [smem:$0x3F9F]  }
0x1a: {  	s8 =	sadd.s32 $0xFFFFE003, lr  }
0x1b: {  	s9 =	sadd.s32 $0xFFFFFEF7, lr;
	s5 =	simm.s32 $0xFFFFFFFF;
	p2 =	slt.u32 s8, $0xFFFFF086  }
0x1c: {  	p1 =	slt.u32 s9, $0xF7A;
	s5 =	simm.s32 @!p2 $0x0  }
0x1d: {  	s5 =	simm.s32 @p1 $0x1;
	p0 =	seq.s32 s7, s2  }
0x1e: {  	s7 =	smul.u32 @!p0 $0xF7A, s2;
	p2 =	seq.s32 @!p0 s5, $0x0  }
0x1f: {  	s9 =	smul.u32 $0xF7A, s1;
	s8 =	simm.s32 @!p0 $0x1BF5;
	p2 =	por !p2, p0  }
0x20: {  	[sflag:s8] =	ssyncset.s32 @!p0 $0xFFFFF086;
	s6 =	sadd.s32 @!p0 s3, s7;
	s7 =	simm.s32 @!p0 $0x108  }
0x21: {  	s3 =	sadd.s32 s3, s9;
	s6 =	sadd.s32 @!p0 $0x88, s6;
	s7 =	simm.s32 @p2 $0x1082  }
0x22: {  	[simem:s7], [sflag:s8] =	dma.local @!p0 [hbm:s6], $0xF7A  }
0x23: {  	s9 =	sor.u32 $0xD0000000, s2;
	s6 =	simm.s32 $0x108;
	_ =	swait.ge @!p0 [sflag:s8], $0x0  }
0x24: {  	s3 =	sadd.s32 $0x88, s3;
	s6 =	simm.s32 @!p1 $0x1082;
	[sflag:s4] =	ssyncset.s32 $0xFFFFF086  }
0x25: {  	[simem:s6], [sflag:s4] =	dma.local [hbm:s3], $0xF7A  }
0x26: {  	[smem:$0x3F9F] =	sst s1;
	(tag) =	ssettag s2;
	_ =	strace s9  }
0x27: {  	s1 =	sld [smem:$0x3FAF]  }
0x28: {  	s2 =	sld [smem:$0x3FB0]  }
0x29: {  	s4 =	sld [smem:$0x3FB2]  }
0x2a: {  	p0 =	seq.s32 s5, $0x0;
	s5 =	sld [smem:$0x3FB3]  }
0x2b: {  	s6 =	sld [smem:$0x3FB4]  }
0x2c: {  	s7 =	sld [smem:$0x3FB5]  }
0x2d: {  	s3 =	simm.s32 $0x108;
	s8 =	sld [smem:$0x3FB6]  }
0x2e: {  	s3 =	simm.s32 @!p0 $0x1082;
	s9 =	sld [smem:$0x3FB7]  }
0x2f: {  	lr =	sadd.s32 s0, s3;
	s0 =	sld [smem:$0x3FAE]  }
0x30: {  	s3 =	sld [smem:$0x3FB1]  }
0x31: {  	[smem:$0x3FBA] =	sst s10  }
0x32: {  	s10 =	sld [smem:$0x3FB8];
	_ =	sdelay $0x3  }
0x33: {  	p0 =	seq.s32 s10, $0x1;
	s10 =	sld [smem:$0x3FBA];
	_ =	sdelay $0x3  }
0x34: {  	[smem:$0x3FBA] =	sst s10  }
0x35: {  	s10 =	sld [smem:$0x3FB9];
	_ =	sdelay $0x3  }
0x36: {  	p1 =	seq.s32 s10, $0x1;
	s10 =	sld [smem:$0x3FBA];
	_ =	sdelay $0x3  }
0x37: {  	[smem:$0x3FBA] =	sst s10  }
0x38: {  	s10 =	sld [smem:$0x3FBB]  }
0x39: {  	_ = 	snop;
	(pc) =	sbr.ind lr, $3  }
0x3a: {  	_ = 	snop  }
0x3b: {  	_ = 	snop  }
0x3c: {  	p2 =	seq.s32 s10, $0x1;
	s10 =	sld [smem:$0x3FBA]  }
0x3d: {  	_ =	shalt  }
0x3e: {  	_ =	shalt  }
0x3f: {  	_ =	shalt  }
0x40: {  	_ =	shalt  }
0x41: {  	_ =	shalt  }
0x42: {  	_ =	shalt  }
0x43: {  	_ =	shalt  }
0x44: {  	_ =	shalt  }
0x45: {  	_ =	shalt  }
0x46: {  	_ =	shalt  }
0x47: {  	_ =	shalt  }
0x48: {  	_ =	shalt  }
0x49: {  	_ =	shalt  }
0x4a: {  	_ =	shalt  }
0x4b: {  	_ =	shalt  }
0x4c: {  	_ =	shalt  }
0x4d: {  	_ =	shalt  }
0x4e: {  	_ =	shalt  }
0x4f: {  	_ =	shalt  }
0x50: {  	_ =	shalt  }
0x51: {  	_ =	shalt  }
0x52: {  	_ =	shalt  }
0x53: {  	_ =	shalt  }
0x54: {  	_ =	shalt  }
0x55: {  	_ =	shalt  }
0x56: {  	_ =	shalt  }
0x57: {  	_ =	shalt  }
0x58: {  	_ =	shalt  }
0x59: {  	_ =	shalt  }
0x5a: {  	_ =	shalt  }
0x5b: {  	_ =	shalt  }
0x5c: {  	_ =	shalt  }
0x5d: {  	_ =	shalt  }
0x5e: {  	_ =	shalt  }
0x5f: {  	_ =	shalt  }
0x60: {  	_ =	shalt  }
0x61: {  	_ =	shalt  }
0x62: {  	_ =	shalt  }
0x63: {  	_ =	shalt  }
0x64: {  	_ =	shalt  }
0x65: {  	_ =	shalt  }
0x66: {  	_ =	shalt  }
0x67: {  	_ =	shalt  }
0x68: {  	_ =	shalt  }
0x69: {  	_ =	shalt  }
0x6a: {  	_ =	shalt  }
0x6b: {  	_ =	shalt  }
0x6c: {  	_ =	shalt  }
0x6d: {  	_ =	shalt  }
0x6e: {  	_ =	shalt  }
0x6f: {  	_ =	shalt  }
0x70: {  	_ =	shalt  }
0x71: {  	_ =	shalt  }
0x72: {  	_ =	shalt  }
0x73: {  	_ =	shalt  }
0x74: {  	_ =	shalt  }
0x75: {  	_ =	shalt  }
0x76: {  	_ =	shalt  }
0x77: {  	_ =	shalt  }
0x78: {  	_ =	shalt  }
0x79: {  	_ =	shalt  }
0x7a: {  	_ =	shalt  }
0x7b: {  	_ =	shalt  }
0x7c: {  	_ =	shalt  }
0x7d: {  	_ =	shalt  }
0x7e: {  	_ =	shalt  }
0x7f: {  	_ =	shalt  }
0x80: {  	_ =	shalt  }
0x81: {  	_ =	shalt  }
0x82: {  	_ =	shalt  }
0x83: {  	_ =	shalt  }
0x84: {  	_ =	shalt  }
0x85: {  	_ =	shalt  }
0x86: {  	_ =	shalt  }
0x87: {  	_ =	shalt  }
.Lfunc_end0:
.L_simem_size_0:
called_computation.2_lowered:
.L_overlay_start_0:
0x88: {  	s2 =	sld [smem:$0x3FD9]  }
0x89: {  	s3 =	sld [smem:$0x3FFE];
	_ =	sdelay $0x1  }
0x8a: {  	s1 =	srdreg.scid  }
0x8b: {  	s0 =	sand.u32 $0x1, s1  }
0x8c: {  	s17 =	sshll.u32 s0, $0xA;
	s2 =	sadd.s32 s3, s2  }
0x8d: {  	s2 =	sadd.s32 s2, s17  }
0x8e: {  	[smem:$0x3FC6] =	sst s2  }
0x8f: {  	_ = 	snop  }
0x90: {  	(tm) =	ssettm $0x1  }
0x91: {  	s18 =	sld [smem:$0x3FFB];
	_ =	sdelay $0x3  }
0x92: {  	_ =	strace s18  }
0x93: {  	s2 =	sld [smem:$0x3FFC];
	_ =	sdelay $0x3  }
0x94: {  	_ =	strace s2  }
0x95: {  	s2 =	sld [smem:$0x3FFD];
	_ =	sdelay $0x3  }
0x96: {  	_ =	strace s2  }
0x97: {  	_ =	strace $0x8FFFFFFF  }
0x98: {  	s19 =	sld [smem:$0x3FDB];
	_ =	sdelay $0x1  }
0x99: {  	s20 =	simm.s32 $_scs_section_size  }
0x9a: {  	s4 =	simm.s32 $_size__tile_overlayer_lowered;
	s5 =	simm.s32 $_tile_overlayer_lowered  }
0x9b: {  	s6 =	simm.s32 $0x1BFF;
	s21 =	sshll.u32 s5, $0x1;
	s3 =	sadd.s32 s20, s19  }
0x9c: {  	s22 =	simm.s32 $0x0;
	s4 =	sshll.u32 s4, $0x1;
	s5 =	sadd.s32 s21, s3  }
0x9d: {  	[timem:s22], [sflag:s6] =	dma.local [hbm:s5], s4  }
0x9e: {  	_ =	swait.ge [sflag:s6], s4  }
0x9f: {  	s4 =	ssub.s32 $0x0, s4;
	[sflag:s6] =	ssyncset.done $0x0  }
0xa0: {  	[sflag:s6] =	ssyncadd.s32 s4;
	_ =	sdelay $0x1  }
0xa1: {  	s23 =	simm.s32 $0x1B8B  }
0xa2: {  	_ =	swait.ge [sflag:s23], $0x1  }
0xa3: {  	[sflag:s23] =	ssyncset.done $0x0  }
0xa4: {  	[sflag:s23] =	ssyncadd.s32 $0xFFFFFFFF  }
0xa5: {  	s4 =	sld [smem:$0x0]  }
0xa6: {  	s5 =	sand.u32 $0xFFFFFFFE, s1  }
0xa7: {  	p0 =	sne.s32 s1, s5  }
0xa8: {  	s5 =	sshll.u32 @p0 s5, $0xE  }
0xa9: {  	s5 =	sadd.s32 @p0 $0x11B8D, s5;
	s6 =	sshll.u32 @p0 s4, $0x11  }
0xaa: {  	s5 =	sor.u32 @p0 s6, s5  }
0xab: {  	[sflag:s5] =	ssyncadd.remote.s32 @p0 $0x1;
	_ =	sdelay $0x1  }
0xac: {  	s5 =	simm.s32 @p0 $0x1B8D  }
0xad: {  	_ =	swait.eq @p0 [sflag:s5], $0x1  }
0xae: {  	[sflag:s5] =	ssyncadd.s32 @p0 $0xFFFFFFFF  }
0xaf: {  	s6 =	sshll.u32 @!p0 s1, $0xE  }
0xb0: {  	s6 =	sor.u32 @!p0 $0x4000, s6;
	s5 =	simm.s32 @!p0 $0x1B8D  }
0xb1: {  	s4 =	sshll.u32 @!p0 s4, $0x11;
	s6 =	sadd.s32 @!p0 $0x11B8D, s6;
	_ =	swait.eq @!p0 [sflag:s5], $0x1  }
0xb2: {  	s4 =	sor.u32 @!p0 s4, s6;
	[sflag:s5] =	ssyncadd.s32 @!p0 $0xFFFFFFFF  }
0xb3: {  	s25 =	simm.s32 $0x1B8E;
	s24 =	sld [smem:$0x3FFE];
	[sflag:s4] =	ssyncadd.remote.s32 @!p0 $0x1  }
0xb4: {  	s26 =	simm.s32 $execute0_lowered;
	[smem:$0x3FD2] =	sst s25  }
0xb5: {  	s5 =	sshll.u32 s26, $0x1;
	_ =	strace $0x8000004C;
	[dreg:$0x1] =	wrdreg $0xFFFFFFFF  }
0xb6: {  	s28 =	simm.s32 $_size_execute0_lowered;
	s3 =	sadd.s32 s3, s5;
	[dreg:$0x0] =	wrdreg $0x0  }
0xb7: {  	s5 =	sshll.u32 s28, $0x1;
	[dreg:$0x2] =	wrdreg s3  }
0xb8: {  	[dreg:$0x3] =	wrdreg s5  }
0xb9: {  	[dreg:$0x4] =	wrdreg $0xC0  }
0xba: {  	_ =	task [dreg:s22], $0x5FFFF  }
0xbb: {  	[dreg:$0x1] =	wrdreg $0xFFFFFFFF  }
0xbc: {  	[dreg:$0x0] =	wrdreg $0x60  }
0xbd: {  	[dreg:$0x2] =	wrdreg s24  }
0xbe: {  	[dreg:$0x3] =	wrdreg $0xB  }
0xbf: {  	_ =	task.clear_ibuf [dreg:s22], $0x4FFFF;
	_ =	strace $0x9000004C  }
0xc0: {  	s29 =	simm.s32 $0xB;
	_ =	strace $0x8000004E  }
0xc1: {  	_ =	swait.ge [sflag:s29], $0x1  }
0xc2: {  	[sflag:s29] =	ssyncadd.s32 $0xFFFFFFFF  }
0xc3: {  	_ =	strace $0x9000004E  }
0xc4: {  	_ =	sfence  }
0xc5: {  	s30 =	sld [smem:$0x0];
	_ =	sdelay $0x2  }
0xc6: {  	s31 =	sshll.u32 s1, $0xD;
	s1 =	sshrl.u32 s1, $0x2  }
0xc7: {  	s4 =	sand.u32 $0x4000, s31;
	s1 =	sadd.s32 s1, s30  }
0xc8: {  	s0 =	sor.u32 s4, s0;
	s1 =	sshll.u32 s1, $0x11  }
0xc9: {  	s0 =	sor.u32 s1, s0  }
0xca: {  	s0 =	sadd.s32 $0x8F2B, s0  }
0xcb: {  	[sflag:s0] =	ssyncadd.remote.s32 $0x1  }
0xcc: {  	_ =	sfence.sel $0xFFFF  }
0xcd: {  	[dreg:$0x0] =	wrdreg $0xFFFFFFFF;
	(pc) =	sbr.abs _section_cstart, $3  }
0xce: {  	[dreg:$0x1] =	wrdreg $0xFFFFFFFF  }
0xcf: {  	_ =	task.clear_ibuf [dreg:s22], $0x2FFFF;
	_ =	strace $0x9FFFFFFF  }
0xd0: {  	(tm) =	ssettm $0x7FFFFFFF  }
0xd1: {  	_ =	shalt  }
tec
execute0_lowered:
.L_overlay_start_1:
0x0: {  	(tag) =	ssettag $0x1  }
0x1: {  	s3 =	rddreg [dreg:$0x0]  }
0x2: {  	s0 =	rddreg [dreg:$0x1];
	s4 =	srdreg.scid  }
0x3: {  	s1 =	stileid.u32;
	s2 =	simm.s32 $0x0;
	s8 =	simm.s32 $0x4000  }
0x4: {  	s9 =	simm.s32 $0x5000;
	s10 =	simm.s32 $0x6000;
	s11 =	simm.s32 $0x6800  }
0x5: {  	v0 =	vlaneseq.u32;
	v1 =	vimm.s32 $0x76543210;
	s4 =	sand.u32 $0x1, s4;
	s5 =	sshll.u32 s1, $0x1;
	[smem:$0x7FF] =	sst s2  }
0x6: {  	v2 =	vimm.s32 $0x13121110;
	v3 =	vimm.s32 $0x17161514;
	s12 =	simm.s32 $0x0;
	v4 =	vunpack.c.l.s4.s8 v1;
	s5 =	sor.u32 s4, s5;
	_ =	strace $0x8000004D  }
0x7: {  	vm0 =	vcmask $0x1F10;
	v5 =	vunpack.c.0.s8.s32 v2;
	v3 =	vunpack.c.0.s8.s32 v3;
	s4 =	ssub.s32 $0x2, s4;
	s6 =	sshll.u32 s5, $0xB;
	s5 =	sshll.u32 s5, $0x8  }
0x8: {  	v1 =	vor.u32 $0x10, v0;
	v6 =	vmul.u32 $0xFFFFFFFF, v0;
	s7 =	sshrl.u32 s4, $0x1;
	v7 =	vunpack.c.0.s8.s32 v4;
	s6 =	sadd.s32 s6, s3;
	s5 =	sadd.s32 s5, s3  }
0x9: {  	v2 =	vor.u32 $0x20, v0;
	v5 =	vsel vm0, v3, v5;
	v3 =	vor.u32 $0x30, v0;
	s7 =	ssub.s32 s4, s7;
	s3 =	sadd.s32 $0x2AC00, s6;
	s4 =	sadd.s32 $0x3AC00, s5  }
0xa: {  	v4 =	vadd.s32 $0xF, v6;
	vm0 =	vmmov $0xff;
	s5 =	sadd.s32 $0x3CC00, s5;
	s6 =	smax.u32 s7, $0x1;
	s7 =	simm.s32 $0x1;
	v5 =	vcombine.low v7, v5  }
.LBB2_1:
0xb: {  	[tilespmem:s2], [sflag:$0x1] =	stream.linear.gather [hbm4b:s3+s2], $0x4000, $0x38;
	[tilespmem:$0x7000] =	vst v63  }
0xc: {  	_ =	swait.ge [sflag:s7], $0x4000  }
0xd: {  	[sflag:s7] =	ssyncset.done $0x0  }
0xe: {  	s14 =	simm.s32 $0x20;
	[sflag:s7] =	ssyncadd.s32 $0xFFFFC000  }
0xf: {  	s15 =	simm.s32 $0x40;
	s13 =	simm.s32 $0x0;
	v6 =	vld [tilespmem:s14+$0x10]  }
.LBB2_2:
0x10: {  	p0 =	sne.s32 s15, $0x3FC0;
	v7 =	vld [tilespmem:s14+$0x0]  }
0x11: {  	v8 =	vld [tilespmem:s14+$0xFFFFFFF0];
	_ =	sdelay $0x1  }
0x12: {  	v9 =	vld [tilespmem:s14+$0xFFFFFFE0]  }
0x13: {  	(xrf1) =	vsort.dscd.msk.f32 $0xffff, v6, v3  }
0x14: {  	(xrf1) =	vsort.dscd.msk.f32 $0xffff, v7, v2  }
0x15: {  	(xrf1) =	vsort.dscd.msk.f32 $0xffff, v8, v1;
	_ =	sdelay $0x1  }
0x16: {  	(xrf1) =	vsort.dscd.msk.f32 $0xffff, v9, v0;
	_ =	sdelay $0x9  }
0x17: {  	v6, v7, _ =	vpop (xrf1)  }
0x18: {  	v6 =	vperm.xlane v6, v4;
	v8, v9, _ =	vpop (xrf1)  }
0x19: {  	v7 =	vperm.xlane v7, v4;
	v10, v11, _ =	vpop (xrf1)  }
0x1a: {  	v10 =	vperm.xlane v10, v4;
	vm1 =	vge.f32 v8, v6  }
0x1b: {  	v11 =	vperm.xlane v11, v4;
	v6 =	vsel vm1, v8, v6;
	v7 =	vsel vm1, v9, v7;
	v8, v9, _ =	vpop (xrf1)  }
0x1c: {  	vm1 =	vge.f32 v8, v10;
	(xrf1) =	vsort.dscd.msk.f32 $0xffff, v6, v7  }
0x1d: {  	v6 =	vsel vm1, v8, v10;
	v7 =	vsel vm1, v9, v11  }
0x1e: {  	(xrf1) =	vsort.dscd.msk.f32 $0xffff, v6, v7;
	_ =	sdelay $0xb  }
0x1f: {  	v6, v7, _ =	vpop (xrf1)  }
0x20: {  	v6 =	vperm.xlane v6, v4  }
0x21: {  	v7 =	vperm.xlane v7, v4;
	v8, v9, _ =	vpop (xrf1)  }
0x22: {  	vm1 =	vge.f32 v8, v6  }
0x23: {  	v6 =	vsel vm1, v8, v6;
	v7 =	vsel vm1, v9, v7  }
0x24: {  	(xrf1) =	vsort.dscd.msk.f32 $0xffff, v6, v7;
	_ =	sdelay $0xd  }
0x25: {  	s16 =	sshra.s32 s13, $0x2;
	s13 =	smov.u32 s15;
	v6, v7, _ =	vpop (xrf1)  }
0x26: {  	[tilespmem:s16+$0x5000] =	vst v7;
	(xrf0) =	vmax.scan.msk.f32 $0xffff, v6;
	_ =	sdelay $0x5  }
0x27: {  	v7, _, _ =	vpop (xrf0)  }
0x28: {  	v7 =	vbroadcast v7, $0xF;
	_ =	sdelay $0x1  }
0x29: {  	v6 =	vsub.f32 v6, v7;
	_ =	sdelay $0x1  }
0x2a: {  	v6 =	vmul.f32 $1.442695020e+00, v6;
	_ =	sdelay $0x1  }
0x2b: {  	(erf) = vpow2.f32 v6;
	_ =	sdelay $0x8  }
0x2c: {  	v6 =	vpop (erf)  }
0x2d: {  	v6 =	vnsel vm0, $0x0, v6  }
0x2e: {  	(xrf2) =	vadd.scan.msk.f32 $0xffff, v6;
	_ =	sdelay $0x9  }
0x2f: {  	v7, _, _ =	vpop (xrf2)  }
0x30: {  	v7 =	vbroadcast v7, $0xF;
	_ =	sdelay $0x1  }
0x31: {  	(erf) = vrcp.f32 v7;
	_ =	sdelay $0x8  }
.Ltmp0:
0x32: {  	v7 =	vpop (erf);
	(pc) =	sbr.rel @p0 .LBB2_2-.Ltmp0, $3  }
0x33: {  	v6 =	vmul.f32 v7, v6;
	_ =	sdelay $0x1  }
0x34: {  	s14 =	sadd.s32 $0x40, s14;
	[tilespmem:s16+$0x4000] =	vst v6  }
0x35: {  	s15 =	sadd.s32 $0x40, s15;
	v6 =	vld [tilespmem:s14+$0x10]  }
0x36: {  	v7 =	vld [tilespmem:s14+$0x0]  }
0x37: {  	v8 =	vld [tilespmem:s14+$0xFFFFFFF0];
	_ =	sdelay $0x1  }
0x38: {  	v9 =	vld [tilespmem:s14+$0xFFFFFFE0]  }
0x39: {  	(xrf1) =	vsort.dscd.msk.f32 $0xffff, v6, v3  }
0x3a: {  	(xrf1) =	vsort.dscd.msk.f32 $0xffff, v7, v2  }
0x3b: {  	(xrf1) =	vsort.dscd.msk.f32 $0xffff, v8, v1;
	_ =	sdelay $0x1  }
0x3c: {  	(xrf1) =	vsort.dscd.msk.f32 $0xffff, v9, v0;
	_ =	sdelay $0x9  }
0x3d: {  	v6, v7, _ =	vpop (xrf1)  }
0x3e: {  	v6 =	vperm.xlane v6, v4;
	v8, v60, _ =	vpop (xrf1)  }
0x3f: {  	v7 =	vperm.xlane v7, v4;
	v10, v11, _ =	vpop (xrf1)  }
0x40: {  	v10 =	vperm.xlane v10, v4;
	vm1 =	vge.f32 v8, v6  }
0x41: {  	v11 =	vperm.xlane v11, v4;
	v6 =	vsel vm1, v8, v6;
	v7 =	vsel vm1, v60, v7;
	v8, v61, _ =	vpop (xrf1)  }
0x42: {  	vm1 =	vge.f32 v8, v10;
	(xrf1) =	vsort.dscd.msk.f32 $0xffff, v6, v7  }
0x43: {  	v6 =	vsel vm1, v8, v10;
	v7 =	vsel vm1, v61, v11  }
0x44: {  	(xrf1) =	vsort.dscd.msk.f32 $0xffff, v6, v7;
	_ =	sdelay $0xb  }
0x45: {  	v6, v7, _ =	vpop (xrf1)  }
0x46: {  	v6 =	vperm.xlane v6, v4  }
0x47: {  	v7 =	vperm.xlane v7, v4;
	v8, v62, _ =	vpop (xrf1)  }
0x48: {  	vm1 =	vge.f32 v8, v6  }
0x49: {  	v6 =	vsel vm1, v8, v6;
	v7 =	vsel vm1, v62, v7  }
0x4a: {  	(xrf1) =	vsort.dscd.msk.f32 $0xffff, v6, v7;
	_ =	sdelay $0xd  }
0x4b: {  	v6, v7, _ =	vpop (xrf1)  }
0x4c: {  	(xrf0) =	vmax.scan.msk.f32 $0xffff, v6;
	_ =	sdelay $0x5  }
0x4d: {  	v8, _, _ =	vpop (xrf0)  }
0x4e: {  	v8 =	vbroadcast v8, $0xF;
	_ =	sdelay $0x1  }
0x4f: {  	v6 =	vsub.f32 v6, v8;
	_ =	sdelay $0x1  }
0x50: {  	v6 =	vmul.f32 $1.442695020e+00, v6;
	_ =	sdelay $0x1  }
0x51: {  	(erf) = vpow2.f32 v6;
	_ =	sdelay $0x8  }
0x52: {  	v6 =	vpop (erf)  }
0x53: {  	v6 =	vnsel vm0, $0x0, v6  }
0x54: {  	(xrf2) =	vadd.scan.msk.f32 $0xffff, v6;
	_ =	sdelay $0x9  }
0x55: {  	v8, _, _ =	vpop (xrf2)  }
0x56: {  	v8 =	vbroadcast v8, $0xF;
	_ =	sdelay $0x1  }
0x57: {  	(erf) = vrcp.f32 v8;
	_ =	sdelay $0x6  }
0x58: {  	s29 =	simm.s32 $0x0  }
0x59: {  	v8 =	vadd.s32 s29, v5  }
0x5a: {  	v63 =	vpop (erf)  }
0x5b: {  	s13 =	sshra.s32 s13, $0x2;
	v6 =	vmul.f32 v63, v6  }
0x5c: {  	[tilespmem:s13+$0x5000] =	vst v7  }
0x5d: {  	[tilespmem:s13+$0x4000] =	vst v6  }
0x5e: {  	v6 =	vld.idx.msk [tilespmem:v8+s8+$0x0], $0xffff;
	_ =	sdelay $0x3  }
0x5f: {  	s30 =	simm.s32 $0x6000  }
0x60: {  	[tilespmem:s30+$0x0] =	vst v6  }
0x61: {  	s31 =	simm.s32 $0x20;
	v6 =	vld.idx.msk [tilespmem:v8+s9+$0x0], $0xffff  }
0x62: {  	v7 =	vadd.s32 s31, v5;
	_ =	sdelay $0x2  }
0x63: {  	s13 =	simm.s32 $0x6800  }
0x64: {  	[tilespmem:s13+$0x0] =	vst v6  }
0x65: {  	v6 =	vld.idx.msk [tilespmem:v7+s8+$0x0], $0xffff;
	_ =	sdelay $0x3  }
0x66: {  	s14 =	simm.s32 $0x6010  }
0x67: {  	[tilespmem:s14+$0x0] =	vst v6  }
0x68: {  	s15 =	simm.s32 $0x40;
	v7 =	vld.idx.msk [tilespmem:v7+s9+$0x0], $0xffff  }
0x69: {  	v6 =	vadd.s32 s15, v5;
	s15 =	simm.s32 $0x60  }
.LBB2_4:
0x6a: {  	p0 =	sne.s32 s15, $0xFE0;
	_ =	sdelay $0x1  }
0x6b: {  	s13 =	sadd.s32 $0x10, s13  }
0x6c: {  	[tilespmem:s13+$0x0] =	vst v7  }
0x6d: {  	v7 =	vld.idx.msk [tilespmem:v6+s8+$0x0], $0xffff;
	_ =	sdelay $0x4  }
.Ltmp1:
0x6e: {  	s14 =	sadd.s32 $0x10, s14;
	(pc) =	sbr.rel @p0 .LBB2_4-.Ltmp1, $3  }
0x6f: {  	[tilespmem:s14+$0x0] =	vst v7  }
0x70: {  	v7 =	vld.idx.msk [tilespmem:v6+s9+$0x0], $0xffff;
	_ =	sdelay $0x1  }
0x71: {  	v6 =	vadd.s32 s15, v5;
	s15 =	sadd.s32 $0x20, s15  }
0x72: {  	_ =	sdelay $0x1  }
0x73: {  	s13 =	sadd.s32 $0x10, s13  }
0x74: {  	[tilespmem:s13+$0x0] =	vst v7  }
0x75: {  	v7 =	vld.idx.msk [tilespmem:v6+s8+$0x0], $0xffff;
	_ =	sdelay $0x3  }
0x76: {  	s14 =	sadd.s32 $0x10, s14  }
0x77: {  	[tilespmem:s14+$0x0] =	vst v7  }
0x78: {  	v6 =	vld.idx.msk [tilespmem:v6+s9+$0x0], $0xffff;
	_ =	sdelay $0x3  }
0x79: {  	s13 =	sadd.s32 $0x10, s13  }
0x7a: {  	[tilespmem:s13+$0x0] =	vst v6  }
0x7b: {  	[hbm4b:s4+s2] =	stream.linear.scatter [tilespmem:s10], [sflag:$0x1], $0x800, $0x38;
	[tilespmem:$0x7000] =	vst v63  }
0x7c: {  	s12 =	sadd.s32 $0x1, s12;
	_ =	swait.ge [sflag:s7], $0x800  }
0x7d: {  	p0 =	sne.s32 s12, s6;
	[sflag:s7] =	ssyncset.done $0x0  }
.Ltmp2:
0x7e: {  	[sflag:s7] =	ssyncadd.s32 $0xFFFFF800;
	(pc) =	sbr.rel @p0 .LBB2_1-.Ltmp2, $4  }
0x7f: {  	[hbm4b:s5+s2] =	stream.linear.scatter [tilespmem:s11], [sflag:$0x1], $0x800, $0x38;
	[tilespmem:$0x7000] =	vst v63  }
0x80: {  	_ =	swait.ge [sflag:s7], $0x800  }
0x81: {  	[sflag:s7] =	ssyncset.done $0x0  }
0x82: {  	[sflag:s7] =	ssyncadd.s32 $0xFFFFF800  }
0x83: {  	_ =	sfence.sel $0x180000  }
0x84: {  	[bflag:$0x0] =	sbarrier.arrive $0xFFFF  }
0x85: {  	p0 =	sne.s32 s1, $0x0;
	_ =	strace $0x9000004D  }
0x86: {  	s0 =	sadd.s32 @!p0 $0x100000, s0;
	[bflag:$0x2] =	sbarrier.arrive $0xFFFF  }
0x87: {  	[sflag:s0] =	ssyncadd.tile.s32 @!p0 $0x1;
	_ =	shalt  }
.Lfunc_end2:
_tile_overlayer_lowered:
.L_overlay_start_2:
0x88: {  	(tag) =	ssettag $0x2  }
0x89: {  	s0 =	rddreg [dreg:$0x0];
	s2 =	stileid.u32  }
0x8a: {  	s1 =	rddreg [dreg:$0x1];
	p0 =	sne.s32 s2, $0x0  }
0x8b: {  	s3 =	rddreg [dreg:$0x2];
	[bflag:$0x3] =	sbarrier.arrive $0xFFFF;
	s2 =	simm.s32 @!p0 $0x1C01  }
0x8c: {  	[timem:s3], [sflag:s2] =	dma.local @!p0 [hbm:s0], s1  }
0x8d: {  	s0 =	simm.s32 @!p0 $0x1  }
0x8e: {  	_ =	swait.ge @!p0 [sflag:s0], s1  }
0x8f: {  	s1 =	ssub.s32 @!p0 $0x0, s1;
	[sflag:s0] =	ssyncset.done @!p0 $0x0  }
0x90: {  	[sflag:s0] =	ssyncadd.s32 @!p0 s1  }
0x91: {  	[bflag:$0x3] =	sbarrier.arrive $0xFFFF  }
0x92: {  	_ =	shalt  }

// kernel: kernel.19.cloned.1.call-start
scs
__scs_entry_jumppad:
0x0: {  	(pc) =	sbr.rel $0x88, $3  }
0x1: {  	(tag) =	ssettag $0x0;
	lr =	simm.s32 $0x1  }
0x2: {  	[smem:$0x3F9F] =	sst lr;
	_ =	strace $0xD0000000  }
0x3: {  	_ = 	snop  }
0x4: {  	_ = 	snop  }
0x5: {  	_ = 	snop  }
0x6: {  	_ = 	snop  }
0x7: {  	_ = 	snop  }
__scs_overlays_trampoline_lowered:
0x8: {  	[smem:$0x3FAE] =	sst s0  }
0x9: {  	[smem:$0x3FAF] =	sst s1  }
0xa: {  	[smem:$0x3FB0] =	sst s2  }
0xb: {  	[smem:$0x3FB1] =	sst s3  }
0xc: {  	[smem:$0x3FB2] =	sst s4  }
0xd: {  	[smem:$0x3FB3] =	sst s5  }
0xe: {  	[smem:$0x3FB4] =	sst s6  }
0xf: {  	[smem:$0x3FB5] =	sst s7  }
0x10: {  	[smem:$0x3FB6] =	sst s8  }
0x11: {  	[smem:$0x3FB7] =	sst s9;
	s0 =	simm.s32 @!p0 $0x0  }
0x12: {  	s1 =	sld [smem:$0x3F9D];
	s0 =	simm.s32 @p0 $0x1  }
0x13: {  	[smem:$0x3FB8] =	sst s0;
	s0 =	simm.s32 @!p1 $0x0  }
0x14: {  	s2 =	sld [smem:$0x3F9C];
	s0 =	simm.s32 @p1 $0x1  }
0x15: {  	[smem:$0x3FB9] =	sst s0;
	s0 =	simm.s32 @!p2 $0x0  }
0x16: {  	s3 =	sld [smem:$0x3FDB];
	s0 =	simm.s32 @p2 $0x1  }
0x17: {  	s4 =	simm.s32 $0x1BF5;
	[smem:$0x3FBB] =	sst s0  }
0x18: {  	s0 =	sld [smem:$0x3F9E];
	_ =	swait.ge [sflag:s4], $0x0  }
0x19: {  	s7 =	sld [smem:$0x3F9F]  }
0x1a: {  	s8 =	sadd.s32 $0xFFFFE003, lr  }
0x1b: {  	s9 =	sadd.s32 $0xFFFFFEF7, lr;
	s5 =	simm.s32 $0xFFFFFFFF;
	p2 =	slt.u32 s8, $0xFFFFF086  }
0x1c: {  	p1 =	slt.u32 s9, $0xF7A;
	s5 =	simm.s32 @!p2 $0x0  }
0x1d: {  	s5 =	simm.s32 @p1 $0x1;
	p0 =	seq.s32 s7, s2  }
0x1e: {  	s7 =	smul.u32 @!p0 $0xF7A, s2;
	p2 =	seq.s32 @!p0 s5, $0x0  }
0x1f: {  	s9 =	smul.u32 $0xF7A, s1;
	s8 =	simm.s32 @!p0 $0x1BF5;
	p2 =	por !p2, p0  }
0x20: {  	[sflag:s8] =	ssyncset.s32 @!p0 $0xFFFFF086;
	s6 =	sadd.s32 @!p0 s3, s7;
	s7 =	simm.s32 @!p0 $0x108  }
0x21: {  	s3 =	sadd.s32 s3, s9;
	s6 =	sadd.s32 @!p0 $0x88, s6;
	s7 =	simm.s32 @p2 $0x1082  }
0x22: {  	[simem:s7], [sflag:s8] =	dma.local @!p0 [hbm:s6], $0xF7A  }
0x23: {  	s9 =	sor.u32 $0xD0000000, s2;
	s6 =	simm.s32 $0x108;
	_ =	swait.ge @!p0 [sflag:s8], $0x0  }
0x24: {  	s3 =	sadd.s32 $0x88, s3;
	s6 =	simm.s32 @!p1 $0x1082;
	[sflag:s4] =	ssyncset.s32 $0xFFFFF086  }
0x25: {  	[simem:s6], [sflag:s4] =	dma.local [hbm:s3], $0xF7A  }
0x26: {  	[smem:$0x3F9F] =	sst s1;
	(tag) =	ssettag s2;
	_ =	strace s9  }
0x27: {  	s1 =	sld [smem:$0x3FAF]  }
0x28: {  	s2 =	sld [smem:$0x3FB0]  }
0x29: {  	s4 =	sld [smem:$0x3FB2]  }
0x2a: {  	p0 =	seq.s32 s5, $0x0;
	s5 =	sld [smem:$0x3FB3]  }
0x2b: {  	s6 =	sld [smem:$0x3FB4]  }
0x2c: {  	s7 =	sld [smem:$0x3FB5]  }
0x2d: {  	s3 =	simm.s32 $0x108;
	s8 =	sld [smem:$0x3FB6]  }
0x2e: {  	s3 =	simm.s32 @!p0 $0x1082;
	s9 =	sld [smem:$0x3FB7]  }
0x2f: {  	lr =	sadd.s32 s0, s3;
	s0 =	sld [smem:$0x3FAE]  }
0x30: {  	s3 =	sld [smem:$0x3FB1]  }
0x31: {  	[smem:$0x3FBA] =	sst s10  }
0x32: {  	s10 =	sld [smem:$0x3FB8];
	_ =	sdelay $0x3  }
0x33: {  	p0 =	seq.s32 s10, $0x1;
	s10 =	sld [smem:$0x3FBA];
	_ =	sdelay $0x3  }
0x34: {  	[smem:$0x3FBA] =	sst s10  }
0x35: {  	s10 =	sld [smem:$0x3FB9];
	_ =	sdelay $0x3  }
0x36: {  	p1 =	seq.s32 s10, $0x1;
	s10 =	sld [smem:$0x3FBA];
	_ =	sdelay $0x3  }
0x37: {  	[smem:$0x3FBA] =	sst s10  }
0x38: {  	s10 =	sld [smem:$0x3FBB]  }
0x39: {  	_ = 	snop;
	(pc) =	sbr.ind lr, $3  }
0x3a: {  	_ = 	snop  }
0x3b: {  	_ = 	snop  }
0x3c: {  	p2 =	seq.s32 s10, $0x1;
	s10 =	sld [smem:$0x3FBA]  }
0x3d: {  	_ =	shalt  }
0x3e: {  	_ =	shalt  }
0x3f: {  	_ =	shalt  }
0x40: {  	_ =	shalt  }
0x41: {  	_ =	shalt  }
0x42: {  	_ =	shalt  }
0x43: {  	_ =	shalt  }
0x44: {  	_ =	shalt  }
0x45: {  	_ =	shalt  }
0x46: {  	_ =	shalt  }
0x47: {  	_ =	shalt  }
0x48: {  	_ =	shalt  }
0x49: {  	_ =	shalt  }
0x4a: {  	_ =	shalt  }
0x4b: {  	_ =	shalt  }
0x4c: {  	_ =	shalt  }
0x4d: {  	_ =	shalt  }
0x4e: {  	_ =	shalt  }
0x4f: {  	_ =	shalt  }
0x50: {  	_ =	shalt  }
0x51: {  	_ =	shalt  }
0x52: {  	_ =	shalt  }
0x53: {  	_ =	shalt  }
0x54: {  	_ =	shalt  }
0x55: {  	_ =	shalt  }
0x56: {  	_ =	shalt  }
0x57: {  	_ =	shalt  }
0x58: {  	_ =	shalt  }
0x59: {  	_ =	shalt  }
0x5a: {  	_ =	shalt  }
0x5b: {  	_ =	shalt  }
0x5c: {  	_ =	shalt  }
0x5d: {  	_ =	shalt  }
0x5e: {  	_ =	shalt  }
0x5f: {  	_ =	shalt  }
0x60: {  	_ =	shalt  }
0x61: {  	_ =	shalt  }
0x62: {  	_ =	shalt  }
0x63: {  	_ =	shalt  }
0x64: {  	_ =	shalt  }
0x65: {  	_ =	shalt  }
0x66: {  	_ =	shalt  }
0x67: {  	_ =	shalt  }
0x68: {  	_ =	shalt  }
0x69: {  	_ =	shalt  }
0x6a: {  	_ =	shalt  }
0x6b: {  	_ =	shalt  }
0x6c: {  	_ =	shalt  }
0x6d: {  	_ =	shalt  }
0x6e: {  	_ =	shalt  }
0x6f: {  	_ =	shalt  }
0x70: {  	_ =	shalt  }
0x71: {  	_ =	shalt  }
0x72: {  	_ =	shalt  }
0x73: {  	_ =	shalt  }
0x74: {  	_ =	shalt  }
0x75: {  	_ =	shalt  }
0x76: {  	_ =	shalt  }
0x77: {  	_ =	shalt  }
0x78: {  	_ =	shalt  }
0x79: {  	_ =	shalt  }
0x7a: {  	_ =	shalt  }
0x7b: {  	_ =	shalt  }
0x7c: {  	_ =	shalt  }
0x7d: {  	_ =	shalt  }
0x7e: {  	_ =	shalt  }
0x7f: {  	_ =	shalt  }
0x80: {  	_ =	shalt  }
0x81: {  	_ =	shalt  }
0x82: {  	_ =	shalt  }
0x83: {  	_ =	shalt  }
0x84: {  	_ =	shalt  }
0x85: {  	_ =	shalt  }
0x86: {  	_ =	shalt  }
0x87: {  	_ =	shalt  }
.Lfunc_end0:
.L_simem_size_0:
called_computation.3_lowered:
.L_overlay_start_0:
0x88: {  	s2 =	sld [smem:$0x3FD9]  }
0x89: {  	s3 =	sld [smem:$0x3FFE];
	_ =	sdelay $0x1  }
0x8a: {  	s1 =	srdreg.scid  }
0x8b: {  	s0 =	sand.u32 $0x1, s1  }
0x8c: {  	s17 =	sshll.u32 s0, $0xA;
	s2 =	sadd.s32 s3, s2  }
0x8d: {  	s2 =	sadd.s32 s2, s17  }
0x8e: {  	[smem:$0x3FC6] =	sst s2  }
0x8f: {  	_ = 	snop  }
0x90: {  	(tm) =	ssettm $0x1  }
0x91: {  	s18 =	sld [smem:$0x3FFB];
	_ =	sdelay $0x3  }
0x92: {  	_ =	strace s18  }
0x93: {  	s2 =	sld [smem:$0x3FFC];
	_ =	sdelay $0x3  }
0x94: {  	_ =	strace s2  }
0x95: {  	s2 =	sld [smem:$0x3FFD];
	_ =	sdelay $0x3  }
0x96: {  	_ =	strace s2  }
0x97: {  	_ =	strace $0x8FFFFFFF  }
0x98: {  	s19 =	sld [smem:$0x3FDB];
	_ =	sdelay $0x1  }
0x99: {  	s20 =	simm.s32 $_scs_section_size  }
0x9a: {  	s4 =	simm.s32 $_size__tile_overlayer_lowered;
	s5 =	simm.s32 $_tile_overlayer_lowered  }
0x9b: {  	s6 =	simm.s32 $0x1BFF;
	s21 =	sshll.u32 s5, $0x1;
	s3 =	sadd.s32 s20, s19  }
0x9c: {  	s22 =	simm.s32 $0x0;
	s4 =	sshll.u32 s4, $0x1;
	s5 =	sadd.s32 s21, s3  }
0x9d: {  	[timem:s22], [sflag:s6] =	dma.local [hbm:s5], s4  }
0x9e: {  	_ =	swait.ge [sflag:s6], s4  }
0x9f: {  	s4 =	ssub.s32 $0x0, s4;
	[sflag:s6] =	ssyncset.done $0x0  }
0xa0: {  	[sflag:s6] =	ssyncadd.s32 s4;
	_ =	sdelay $0x1  }
0xa1: {  	s23 =	simm.s32 $0x1B8B  }
0xa2: {  	_ =	swait.ge [sflag:s23], $0x1  }
0xa3: {  	[sflag:s23] =	ssyncset.done $0x0  }
0xa4: {  	[sflag:s23] =	ssyncadd.s32 $0xFFFFFFFF  }
0xa5: {  	s4 =	sld [smem:$0x0]  }
0xa6: {  	s5 =	sand.u32 $0xFFFFFFFE, s1  }
0xa7: {  	p0 =	sne.s32 s1, s5  }
0xa8: {  	s5 =	sshll.u32 @p0 s5, $0xE  }
0xa9: {  	s5 =	sadd.s32 @p0 $0x11B8D, s5;
	s6 =	sshll.u32 @p0 s4, $0x11  }
0xaa: {  	s5 =	sor.u32 @p0 s6, s5  }
0xab: {  	[sflag:s5] =	ssyncadd.remote.s32 @p0 $0x1;
	_ =	sdelay $0x1  }
0xac: {  	s5 =	simm.s32 @p0 $0x1B8D  }
0xad: {  	_ =	swait.eq @p0 [sflag:s5], $0x1  }
0xae: {  	[sflag:s5] =	ssyncadd.s32 @p0 $0xFFFFFFFF  }
0xaf: {  	s6 =	sshll.u32 @!p0 s1, $0xE  }
0xb0: {  	s6 =	sor.u32 @!p0 $0x4000, s6;
	s5 =	simm.s32 @!p0 $0x1B8D  }
0xb1: {  	s4 =	sshll.u32 @!p0 s4, $0x11;
	s6 =	sadd.s32 @!p0 $0x11B8D, s6;
	_ =	swait.eq @!p0 [sflag:s5], $0x1  }
0xb2: {  	s4 =	sor.u32 @!p0 s4, s6;
	[sflag:s5] =	ssyncadd.s32 @!p0 $0xFFFFFFFF  }
0xb3: {  	s25 =	simm.s32 $0x1B8E;
	s24 =	sld [smem:$0x3FFE];
	[sflag:s4] =	ssyncadd.remote.s32 @!p0 $0x1  }
0xb4: {  	s26 =	simm.s32 $execute0_lowered;
	[smem:$0x3FD2] =	sst s25  }
0xb5: {  	s5 =	sshll.u32 s26, $0x1;
	_ =	strace $0x80000049;
	[dreg:$0x1] =	wrdreg $0xFFFFFFFF  }
0xb6: {  	s28 =	simm.s32 $_size_execute0_lowered;
	s3 =	sadd.s32 s3, s5;
	[dreg:$0x0] =	wrdreg $0x0  }
0xb7: {  	s5 =	sshll.u32 s28, $0x1;
	[dreg:$0x2] =	wrdreg s3  }
0xb8: {  	[dreg:$0x3] =	wrdreg s5  }
0xb9: {  	[dreg:$0x4] =	wrdreg $0xC0  }
0xba: {  	_ =	task [dreg:s22], $0x5FFFF  }
0xbb: {  	[dreg:$0x1] =	wrdreg $0xFFFFFFFF  }
0xbc: {  	[dreg:$0x0] =	wrdreg $0x60  }
0xbd: {  	[dreg:$0x2] =	wrdreg s24  }
0xbe: {  	[dreg:$0x3] =	wrdreg $0xC  }
0xbf: {  	_ =	task.clear_ibuf [dreg:s22], $0x4FFFF;
	_ =	strace $0x90000049  }
0xc0: {  	s29 =	simm.s32 $0xC;
	_ =	strace $0x8000004B  }
0xc1: {  	_ =	swait.ge [sflag:s29], $0x1  }
0xc2: {  	[sflag:s29] =	ssyncadd.s32 $0xFFFFFFFF  }
0xc3: {  	_ =	strace $0x9000004B  }
0xc4: {  	_ =	sfence  }
0xc5: {  	s30 =	sld [smem:$0x0];
	_ =	sdelay $0x2  }
0xc6: {  	s31 =	sshll.u32 s1, $0xD;
	s1 =	sshrl.u32 s1, $0x2  }
0xc7: {  	s4 =	sand.u32 $0x4000, s31;
	s1 =	sadd.s32 s1, s30  }
0xc8: {  	s0 =	sor.u32 s4, s0;
	s1 =	sshll.u32 s1, $0x11  }
0xc9: {  	s0 =	sor.u32 s1, s0  }
0xca: {  	s0 =	sadd.s32 $0x8F2B, s0  }
0xcb: {  	[sflag:s0] =	ssyncadd.remote.s32 $0x1  }
0xcc: {  	_ =	sfence.sel $0xFFFF  }
0xcd: {  	[dreg:$0x0] =	wrdreg $0xFFFFFFFF;
	(pc) =	sbr.abs _section_cstart, $3  }
0xce: {  	[dreg:$0x1] =	wrdreg $0xFFFFFFFF  }
0xcf: {  	_ =	task.clear_ibuf [dreg:s22], $0x2FFFF;
	_ =	strace $0x9FFFFFFF  }
0xd0: {  	(tm) =	ssettm $0x7FFFFFFF  }
0xd1: {  	_ =	shalt  }
tec
execute0_lowered:
.L_overlay_start_1:
0x0: {  	(tag) =	ssettag $0x1  }
0x1: {  	s3 =	rddreg [dreg:$0x0]  }
0x2: {  	s0 =	rddreg [dreg:$0x1];
	s4 =	srdreg.scid  }
0x3: {  	s1 =	stileid.u32;
	s2 =	simm.s32 $0x0;
	s8 =	simm.s32 $0x4000  }
0x4: {  	s9 =	simm.s32 $0x5000;
	s10 =	simm.s32 $0x6000;
	s11 =	simm.s32 $0x6800  }
0x5: {  	v0 =	vlaneseq.u32;
	v1 =	vimm.s32 $0x76543210;
	s4 =	sand.u32 $0x1, s4;
	s5 =	sshll.u32 s1, $0x1;
	[smem:$0x7FF] =	sst s2  }
0x6: {  	v2 =	vimm.s32 $0x13121110;
	v3 =	vimm.s32 $0x17161514;
	s12 =	simm.s32 $0x0;
	v4 =	vunpack.c.l.s4.s8 v1;
	s5 =	sor.u32 s4, s5;
	_ =	strace $0x8000004A  }
0x7: {  	vm0 =	vcmask $0x1F10;
	v5 =	vunpack.c.0.s8.s32 v2;
	v3 =	vunpack.c.0.s8.s32 v3;
	s4 =	ssub.s32 $0x2, s4;
	s6 =	sshll.u32 s5, $0xB;
	s5 =	sshll.u32 s5, $0x8  }
0x8: {  	v1 =	vor.u32 $0x10, v0;
	v6 =	vmul.u32 $0xFFFFFFFF, v0;
	s7 =	sshrl.u32 s4, $0x1;
	v7 =	vunpack.c.0.s8.s32 v4;
	s6 =	sadd.s32 s6, s3;
	s5 =	sadd.s32 s5, s3  }
0x9: {  	v2 =	vor.u32 $0x20, v0;
	v5 =	vsel vm0, v3, v5;
	v3 =	vor.u32 $0x30, v0;
	s7 =	ssub.s32 s4, s7;
	s3 =	sadd.s32 $0x16C00, s6;
	s4 =	sadd.s32 $0x26C00, s5  }
0xa: {  	v4 =	vadd.s32 $0xF, v6;
	vm0 =	vmmov $0xff;
	s5 =	sadd.s32 $0x28C00, s5;
	s6 =	smax.u32 s7, $0x1;
	s7 =	simm.s32 $0x1;
	v5 =	vcombine.low v7, v5  }
.LBB2_1:
0xb: {  	[tilespmem:s2], [sflag:$0x1] =	stream.linear.gather [hbm4b:s3+s2], $0x4000, $0x38;
	[tilespmem:$0x7000] =	vst v63  }
0xc: {  	_ =	swait.ge [sflag:s7], $0x4000  }
0xd: {  	[sflag:s7] =	ssyncset.done $0x0  }
0xe: {  	s14 =	simm.s32 $0x20;
	[sflag:s7] =	ssyncadd.s32 $0xFFFFC000  }
0xf: {  	s15 =	simm.s32 $0x40;
	s13 =	simm.s32 $0x0;
	v6 =	vld [tilespmem:s14+$0x10]  }
.LBB2_2:
0x10: {  	p0 =	sne.s32 s15, $0x3FC0;
	v7 =	vld [tilespmem:s14+$0x0]  }
0x11: {  	v8 =	vld [tilespmem:s14+$0xFFFFFFF0];
	_ =	sdelay $0x1  }
0x12: {  	v9 =	vld [tilespmem:s14+$0xFFFFFFE0]  }
0x13: {  	(xrf1) =	vsort.dscd.msk.f32 $0xffff, v6, v3  }
0x14: {  	(xrf1) =	vsort.dscd.msk.f32 $0xffff, v7, v2  }
0x15: {  	(xrf1) =	vsort.dscd.msk.f32 $0xffff, v8, v1;
	_ =	sdelay $0x1  }
0x16: {  	(xrf1) =	vsort.dscd.msk.f32 $0xffff, v9, v0;
	_ =	sdelay $0x9  }
0x17: {  	v6, v7, _ =	vpop (xrf1)  }
0x18: {  	v6 =	vperm.xlane v6, v4;
	v8, v9, _ =	vpop (xrf1)  }
0x19: {  	v7 =	vperm.xlane v7, v4;
	v10, v11, _ =	vpop (xrf1)  }
0x1a: {  	v10 =	vperm.xlane v10, v4;
	vm1 =	vge.f32 v8, v6  }
0x1b: {  	v11 =	vperm.xlane v11, v4;
	v6 =	vsel vm1, v8, v6;
	v7 =	vsel vm1, v9, v7;
	v8, v9, _ =	vpop (xrf1)  }
0x1c: {  	vm1 =	vge.f32 v8, v10;
	(xrf1) =	vsort.dscd.msk.f32 $0xffff, v6, v7  }
0x1d: {  	v6 =	vsel vm1, v8, v10;
	v7 =	vsel vm1, v9, v11  }
0x1e: {  	(xrf1) =	vsort.dscd.msk.f32 $0xffff, v6, v7;
	_ =	sdelay $0xb  }
0x1f: {  	v6, v7, _ =	vpop (xrf1)  }
0x20: {  	v6 =	vperm.xlane v6, v4  }
0x21: {  	v7 =	vperm.xlane v7, v4;
	v8, v9, _ =	vpop (xrf1)  }
0x22: {  	vm1 =	vge.f32 v8, v6  }
0x23: {  	v6 =	vsel vm1, v8, v6;
	v7 =	vsel vm1, v9, v7  }
0x24: {  	(xrf1) =	vsort.dscd.msk.f32 $0xffff, v6, v7;
	_ =	sdelay $0xd  }
0x25: {  	s16 =	sshra.s32 s13, $0x2;
	s13 =	smov.u32 s15;
	v6, v7, _ =	vpop (xrf1)  }
0x26: {  	[tilespmem:s16+$0x5000] =	vst v7;
	(xrf0) =	vmax.scan.msk.f32 $0xffff, v6;
	_ =	sdelay $0x5  }
0x27: {  	v7, _, _ =	vpop (xrf0)  }
0x28: {  	v7 =	vbroadcast v7, $0xF;
	_ =	sdelay $0x1  }
0x29: {  	v6 =	vsub.f32 v6, v7;
	_ =	sdelay $0x1  }
0x2a: {  	v6 =	vmul.f32 $1.442695020e+00, v6;
	_ =	sdelay $0x1  }
0x2b: {  	(erf) = vpow2.f32 v6;
	_ =	sdelay $0x8  }
0x2c: {  	v6 =	vpop (erf)  }
0x2d: {  	v6 =	vnsel vm0, $0x0, v6  }
0x2e: {  	(xrf2) =	vadd.scan.msk.f32 $0xffff, v6;
	_ =	sdelay $0x9  }
0x2f: {  	v7, _, _ =	vpop (xrf2)  }
0x30: {  	v7 =	vbroadcast v7, $0xF;
	_ =	sdelay $0x1  }
0x31: {  	(erf) = vrcp.f32 v7;
	_ =	sdelay $0x8  }
.Ltmp0:
0x32: {  	v7 =	vpop (erf);
	(pc) =	sbr.rel @p0 .LBB2_2-.Ltmp0, $3  }
0x33: {  	v6 =	vmul.f32 v7, v6;
	_ =	sdelay $0x1  }
0x34: {  	s14 =	sadd.s32 $0x40, s14;
	[tilespmem:s16+$0x4000] =	vst v6  }
0x35: {  	s15 =	sadd.s32 $0x40, s15;
	v6 =	vld [tilespmem:s14+$0x10]  }
0x36: {  	v7 =	vld [tilespmem:s14+$0x0]  }
0x37: {  	v8 =	vld [tilespmem:s14+$0xFFFFFFF0];
	_ =	sdelay $0x1  }
0x38: {  	v9 =	vld [tilespmem:s14+$0xFFFFFFE0]  }
0x39: {  	(xrf1) =	vsort.dscd.msk.f32 $0xffff, v6, v3  }
0x3a: {  	(xrf1) =	vsort.dscd.msk.f32 $0xffff, v7, v2  }
0x3b: {  	(xrf1) =	vsort.dscd.msk.f32 $0xffff, v8, v1;
	_ =	sdelay $0x1  }
0x3c: {  	(xrf1) =	vsort.dscd.msk.f32 $0xffff, v9, v0;
	_ =	sdelay $0x9  }
0x3d: {  	v6, v7, _ =	vpop (xrf1)  }
0x3e: {  	v6 =	vperm.xlane v6, v4;
	v8, v60, _ =	vpop (xrf1)  }
0x3f: {  	v7 =	vperm.xlane v7, v4;
	v10, v11, _ =	vpop (xrf1)  }
0x40: {  	v10 =	vperm.xlane v10, v4;
	vm1 =	vge.f32 v8, v6  }
0x41: {  	v11 =	vperm.xlane v11, v4;
	v6 =	vsel vm1, v8, v6;
	v7 =	vsel vm1, v60, v7;
	v8, v61, _ =	vpop (xrf1)  }
0x42: {  	vm1 =	vge.f32 v8, v10;
	(xrf1) =	vsort.dscd.msk.f32 $0xffff, v6, v7  }
0x43: {  	v6 =	vsel vm1, v8, v10;
	v7 =	vsel vm1, v61, v11  }
0x44: {  	(xrf1) =	vsort.dscd.msk.f32 $0xffff, v6, v7;
	_ =	sdelay $0xb  }
0x45: {  	v6, v7, _ =	vpop (xrf1)  }
0x46: {  	v6 =	vperm.xlane v6, v4  }
0x47: {  	v7 =	vperm.xlane v7, v4;
	v8, v62, _ =	vpop (xrf1)  }
0x48: {  	vm1 =	vge.f32 v8, v6  }
0x49: {  	v6 =	vsel vm1, v8, v6;
	v7 =	vsel vm1, v62, v7  }
0x4a: {  	(xrf1) =	vsort.dscd.msk.f32 $0xffff, v6, v7;
	_ =	sdelay $0xd  }
0x4b: {  	v6, v7, _ =	vpop (xrf1)  }
0x4c: {  	(xrf0) =	vmax.scan.msk.f32 $0xffff, v6;
	_ =	sdelay $0x5  }
0x4d: {  	v8, _, _ =	vpop (xrf0)  }
0x4e: {  	v8 =	vbroadcast v8, $0xF;
	_ =	sdelay $0x1  }
0x4f: {  	v6 =	vsub.f32 v6, v8;
	_ =	sdelay $0x1  }
0x50: {  	v6 =	vmul.f32 $1.442695020e+00, v6;
	_ =	sdelay $0x1  }
0x51: {  	(erf) = vpow2.f32 v6;
	_ =	sdelay $0x8  }
0x52: {  	v6 =	vpop (erf)  }
0x53: {  	v6 =	vnsel vm0, $0x0, v6  }
0x54: {  	(xrf2) =	vadd.scan.msk.f32 $0xffff, v6;
	_ =	sdelay $0x9  }
0x55: {  	v8, _, _ =	vpop (xrf2)  }
0x56: {  	v8 =	vbroadcast v8, $0xF;
	_ =	sdelay $0x1  }
0x57: {  	(erf) = vrcp.f32 v8;
	_ =	sdelay $0x6  }
0x58: {  	s29 =	simm.s32 $0x0  }
0x59: {  	v8 =	vadd.s32 s29, v5  }
0x5a: {  	v63 =	vpop (erf)  }
0x5b: {  	s13 =	sshra.s32 s13, $0x2;
	v6 =	vmul.f32 v63, v6  }
0x5c: {  	[tilespmem:s13+$0x5000] =	vst v7  }
0x5d: {  	[tilespmem:s13+$0x4000] =	vst v6  }
0x5e: {  	v6 =	vld.idx.msk [tilespmem:v8+s8+$0x0], $0xffff;
	_ =	sdelay $0x3  }
0x5f: {  	s30 =	simm.s32 $0x6000  }
0x60: {  	[tilespmem:s30+$0x0] =	vst v6  }
0x61: {  	s31 =	simm.s32 $0x20;
	v6 =	vld.idx.msk [tilespmem:v8+s9+$0x0], $0xffff  }
0x62: {  	v7 =	vadd.s32 s31, v5;
	_ =	sdelay $0x2  }
0x63: {  	s13 =	simm.s32 $0x6800  }
0x64: {  	[tilespmem:s13+$0x0] =	vst v6  }
0x65: {  	v6 =	vld.idx.msk [tilespmem:v7+s8+$0x0], $0xffff;
	_ =	sdelay $0x3  }
0x66: {  	s14 =	simm.s32 $0x6010  }
0x67: {  	[tilespmem:s14+$0x0] =	vst v6  }
0x68: {  	s15 =	simm.s32 $0x40;
	v7 =	vld.idx.msk [tilespmem:v7+s9+$0x0], $0xffff  }
0x69: {  	v6 =	vadd.s32 s15, v5;
	s15 =	simm.s32 $0x60  }
.LBB2_4:
0x6a: {  	p0 =	sne.s32 s15, $0xFE0;
	_ =	sdelay $0x1  }
0x6b: {  	s13 =	sadd.s32 $0x10, s13  }
0x6c: {  	[tilespmem:s13+$0x0] =	vst v7  }
0x6d: {  	v7 =	vld.idx.msk [tilespmem:v6+s8+$0x0], $0xffff;
	_ =	sdelay $0x4  }
.Ltmp1:
0x6e: {  	s14 =	sadd.s32 $0x10, s14;
	(pc) =	sbr.rel @p0 .LBB2_4-.Ltmp1, $3  }
0x6f: {  	[tilespmem:s14+$0x0] =	vst v7  }
0x70: {  	v7 =	vld.idx.msk [tilespmem:v6+s9+$0x0], $0xffff;
	_ =	sdelay $0x1  }
0x71: {  	v6 =	vadd.s32 s15, v5;
	s15 =	sadd.s32 $0x20, s15  }
0x72: {  	_ =	sdelay $0x1  }
0x73: {  	s13 =	sadd.s32 $0x10, s13  }
0x74: {  	[tilespmem:s13+$0x0] =	vst v7  }
0x75: {  	v7 =	vld.idx.msk [tilespmem:v6+s8+$0x0], $0xffff;
	_ =	sdelay $0x3  }
0x76: {  	s14 =	sadd.s32 $0x10, s14  }
0x77: {  	[tilespmem:s14+$0x0] =	vst v7  }
0x78: {  	v6 =	vld.idx.msk [tilespmem:v6+s9+$0x0], $0xffff;
	_ =	sdelay $0x3  }
0x79: {  	s13 =	sadd.s32 $0x10, s13  }
0x7a: {  	[tilespmem:s13+$0x0] =	vst v6  }
0x7b: {  	[hbm4b:s4+s2] =	stream.linear.scatter [tilespmem:s10], [sflag:$0x1], $0x800, $0x38;
	[tilespmem:$0x7000] =	vst v63  }
0x7c: {  	s12 =	sadd.s32 $0x1, s12;
	_ =	swait.ge [sflag:s7], $0x800  }
0x7d: {  	p0 =	sne.s32 s12, s6;
	[sflag:s7] =	ssyncset.done $0x0  }
.Ltmp2:
0x7e: {  	[sflag:s7] =	ssyncadd.s32 $0xFFFFF800;
	(pc) =	sbr.rel @p0 .LBB2_1-.Ltmp2, $4  }
0x7f: {  	[hbm4b:s5+s2] =	stream.linear.scatter [tilespmem:s11], [sflag:$0x1], $0x800, $0x38;
	[tilespmem:$0x7000] =	vst v63  }
0x80: {  	_ =	swait.ge [sflag:s7], $0x800  }
0x81: {  	[sflag:s7] =	ssyncset.done $0x0  }
0x82: {  	[sflag:s7] =	ssyncadd.s32 $0xFFFFF800  }
0x83: {  	_ =	sfence.sel $0x180000  }
0x84: {  	[bflag:$0x0] =	sbarrier.arrive $0xFFFF  }
0x85: {  	p0 =	sne.s32 s1, $0x0;
	_ =	strace $0x9000004A  }
0x86: {  	s0 =	sadd.s32 @!p0 $0x100000, s0;
	[bflag:$0x2] =	sbarrier.arrive $0xFFFF  }
0x87: {  	[sflag:s0] =	ssyncadd.tile.s32 @!p0 $0x1;
	_ =	shalt  }
.Lfunc_end2:
_tile_overlayer_lowered:
.L_overlay_start_2:
0x88: {  	(tag) =	ssettag $0x2  }
0x89: {  	s0 =	rddreg [dreg:$0x0];
	s2 =	stileid.u32  }
0x8a: {  	s1 =	rddreg [dreg:$0x1];
	p0 =	sne.s32 s2, $0x0  }
0x8b: {  	s3 =	rddreg [dreg:$0x2];
	[bflag:$0x3] =	sbarrier.arrive $0xFFFF;
	s2 =	simm.s32 @!p0 $0x1C01  }
0x8c: {  	[timem:s3], [sflag:s2] =	dma.local @!p0 [hbm:s0], s1  }
0x8d: {  	s0 =	simm.s32 @!p0 $0x1  }
0x8e: {  	_ =	swait.ge @!p0 [sflag:s0], s1  }
0x8f: {  	s1 =	ssub.s32 @!p0 $0x0, s1;
	[sflag:s0] =	ssyncset.done @!p0 $0x0  }
0x90: {  	[sflag:s0] =	ssyncadd.s32 @!p0 s1  }
0x91: {  	[bflag:$0x3] =	sbarrier.arrive $0xFFFF  }
0x92: {  	_ =	shalt  }

</sc_bundles>
